<compile_context>
chip_gen: v7x
topology: tpu7x:2x2x1
jax: 0.10.2.dev20260603
libtpu: 0.0.44.dev20260713+nightly
codegen_flags: <defaults>
</compile_context>

<pallas_src>
import functools

import jax
import jax.numpy as jnp
from jax import lax
from jax.experimental import pallas as pl
from jax.experimental.pallas import tpu as pltpu
from jax.experimental.pallas import tpu_sc as plsc

NUM_CODES = 1024
DIM = 64
BETA = 0.25
ROWS = 2048
LANES = 16
HALF = DIM // 2


def _dist_block(z_ref, e_ref, iota_ref, idx_ref, loss_ref):
    i = pl.program_id(0)
    z = z_ref[...]
    e = e_ref[...]
    z_sq = jnp.sum(z * z, axis=1)
    e_sq = jnp.sum(e * e, axis=1)
    mm = jax.lax.dot_general(
        z, e, (((1,), (1,)), ((), ())),
        preferred_element_type=jnp.float32,
    )
    dist = (z_sq[:, None] + e_sq[None, :]) - 2.0 * mm
    minv = jnp.min(dist, axis=1)
    iota_f = iota_ref[0, 0]
    cand = jnp.where(dist == minv[:, None], iota_f[None, :],
                     jnp.float32(NUM_CODES - 1))
    idx_f = jnp.min(cand, axis=1)
    idx_ref[0, 0] = idx_f.astype(jnp.int32)
    part = jnp.sum(minv).reshape(1, 1)

    @pl.when(i == 0)
    def _init():
        loss_ref[...] = part

    @pl.when(i != 0)
    def _acc():
        loss_ref[...] += part


def _gather_body(e_hbm, idx_hbm, out_hbm, e_v, idx_v, out_v):
    wid = lax.axis_index("s") * 2 + lax.axis_index("c")
    b = wid // 2
    h = wid % 2
    pltpu.sync_copy(e_hbm, e_v)
    pltpu.sync_copy(idx_hbm.at[b], idx_v)
    base = jnp.int32(h * HALF)

    @plsc.parallel_loop(0, NUM_CODES // LANES, unroll=2)
    def step(j):
        col = pl.ds(j * LANES, LANES)
        flat0 = idx_v[col] * jnp.int32(DIM) + base
        for r in range(HALF):
            out_v[r, col] = plsc.load_gather(e_v, [flat0 + jnp.int32(r)])

    pltpu.sync_copy(out_v, out_hbm.at[b, pl.ds(h * HALF, HALF)])


@functools.partial(
    pl.kernel,
    mesh=plsc.VectorSubcoreMesh(core_axis_name="c", subcore_axis_name="s"),
    out_type=jax.ShapeDtypeStruct((16, DIM, NUM_CODES), jnp.float32),
    scratch_types=[
        pltpu.VMEM((NUM_CODES * DIM,), jnp.float32),
        pltpu.VMEM((NUM_CODES,), jnp.int32),
        pltpu.VMEM((HALF, NUM_CODES), jnp.float32),
    ],
    compiler_params=pltpu.CompilerParams(needs_layout_passes=False),
)
def _gather_kernel(e_hbm, idx_hbm, out_hbm, e_v, idx_v, out_v):
    _gather_body(e_hbm, idx_hbm, out_hbm, e_v, idx_v, out_v)


@jax.jit
def kernel(z_e, embedding):
    B, D = z_e.shape[0], z_e.shape[1]
    spatial = z_e.shape[2:]
    ndim = z_e.ndim
    perm = (0,) + tuple(range(2, ndim)) + (1,)
    z_flat = jnp.transpose(z_e, perm).reshape(-1, D)
    n = z_flat.shape[0]
    nb = n // ROWS
    iota_f = jnp.arange(NUM_CODES, dtype=jnp.float32).reshape(1, 1, NUM_CODES)
    idx, loss = pl.pallas_call(
        _dist_block,
        grid=(nb,),
        in_specs=[
            pl.BlockSpec((ROWS, D), lambda i: (i, 0)),
            pl.BlockSpec((NUM_CODES, D), lambda i: (0, 0)),
            pl.BlockSpec((1, 1, NUM_CODES), lambda i: (0, 0, 0)),
        ],
        out_specs=[
            pl.BlockSpec((1, 1, ROWS), lambda i: (i, 0, 0)),
            pl.BlockSpec((1, 1), lambda i: (0, 0)),
        ],
        out_shape=[
            jax.ShapeDtypeStruct((nb, 1, ROWS), jnp.int32),
            jax.ShapeDtypeStruct((1, 1), jnp.float32),
        ],
    )(z_flat, embedding, iota_f)
    idx2d = idx.reshape(B, NUM_CODES)
    zq = _gather_kernel(embedding.reshape(-1), idx2d)
    z_q_st = zq.reshape(z_e.shape)
    indices_map = idx2d.reshape((B,) + spatial)
    codebook_loss = loss[0, 0] / (n * D)
    return (
        z_q_st,
        indices_map,
        (1.0 + BETA) * codebook_loss,
        codebook_loss,
        BETA * codebook_loss,
    )

# --- scband reference (transcript-rebuilt; emitter-appended) ---
"""Pipeline reference for scband-emavector-quantizer-55121610277368 (READ-ONLY COPY).

The authoritative reference and input builder live on the scoring server;
editing this copy changes nothing except your own understanding.
"""

import jax, jax.numpy as jnp
import numpy as np

NUM_EMBEDDINGS = 1024
EMBEDDING_DIM = 64
BETA = 0.25


def setup_inputs(seed: int = 0) -> dict:
    key = jax.random.key(seed)
    k1, k2 = jax.random.split(key)
    z_e = jax.random.normal(k1, (16, 64, 32, 32), dtype=jnp.float32)
    embedding = jax.random.uniform(
        k2, (NUM_EMBEDDINGS, EMBEDDING_DIM), dtype=jnp.float32,
        minval=-1.0 / NUM_EMBEDDINGS, maxval=1.0 / NUM_EMBEDDINGS,
    )
    return {"z_e": z_e, "embedding": embedding}


def reference(z_e, embedding):
    # Eval-mode forward of EMAVectorQuantizer (EMA buffer updates only occur in training).
    B, D = z_e.shape[0], z_e.shape[1]
    spatial = tuple(z_e.shape[2:])
    ndim = z_e.ndim
    perm = (0,) + tuple(range(2, ndim)) + (1,)
    z = jnp.transpose(z_e, perm)
    z_flat = z.reshape(-1, D)
    e = embedding
    z_sq = jnp.sum(z_flat ** 2, axis=1, keepdims=True)
    e_sq = jnp.sum(e ** 2, axis=1)
    distances = z_sq + e_sq[None, :] - 2.0 * (z_flat @ e.T)
    indices = jnp.argmin(distances, axis=1)
    # encodings @ e is equivalent to a gather of codebook rows
    z_q_flat = jnp.take(e, indices, axis=0)
    z_q = z_q_flat.reshape((B,) + spatial + (D,))
    inv_perm = (0, ndim - 1) + tuple(range(1, ndim - 1))
    z_q = jnp.transpose(z_q, inv_perm)
    codebook_loss = jnp.mean((jax.lax.stop_gradient(z_e) - z_q) ** 2)
    commitment_loss = jnp.mean((z_e - jax.lax.stop_gradient(z_q)) ** 2)
    vq_loss = codebook_loss + BETA * commitment_loss
    z_q_st = z_e + jax.lax.stop_gradient(z_q - z_e)
    indices_map = indices.reshape((B,) + spatial)
    return (z_q_st, indices_map, vq_loss, codebook_loss, BETA * commitment_loss)

if __name__ == "__main__":
    import jax
    _d = setup_inputs()
    print(jax.jit(kernel)(*tuple(_d.values())))

</pallas_src>

<mosaic_0001>
#map = affine_map<(d0, d1) -> (0)>
#map1 = affine_map<(d0, d1) -> (0, 0)>
#map2 = affine_map<(d0, d1) -> (0, 0, 0)>
module attributes {stable_mosaic.version = 14 : i64} {
  func.func @_gather_kernel(%arg0: i32, %arg1: i32, %arg2: memref<65536xf32, #tpu.memory_space<hbm>>, %arg3: memref<16x1024xi32, #tpu.memory_space<hbm>>, %arg4: memref<16x64x1024xf32, #tpu.memory_space<hbm>>, %arg5: memref<65536xf32, #tpu.memory_space<vmem>>, %arg6: memref<1024xi32, #tpu.memory_space<vmem>>, %arg7: memref<32x1024xf32, #tpu.memory_space<vmem>>) attributes {dimension_semantics = [#tpu.dimension_semantics<core_parallel>, #tpu.dimension_semantics<subcore_parallel>], iteration_bounds = array<i64: 2, 16>, scalar_prefetch = 0 : i64, scratch_operands = 3 : i64, tpu.core_type = #tpu.core_type<sc_vector_subcore>, window_params = [{transform_indices = #map}, {transform_indices = #map1}, {transform_indices = #map2}]} {
    %mul3A = arith.constant 2 : i32
    %mul3A_0 = arith.muli %arg1, %mul3A : i32
    %add3A = arith.addi %mul3A_0, %arg0 : i32
    %jit3A = arith.constant 2 : i32
    %div3A = arith.divsi %add3A, %jit3A : i32
    %sign3A = arith.constant 0 : i32
    %sign3A_1 = arith.cmpi sgt, %add3A, %sign3A : i32
    %sign3A_2 = arith.extui %sign3A_1 : i1 to i32
    %sign3A_3 = arith.constant 0 : i32
    %sign3A_4 = arith.cmpi slt, %add3A, %sign3A_3 : i32
    %sign3A_5 = arith.extui %sign3A_4 : i1 to i32
    %sign3A_6 = arith.subi %sign3A_2, %sign3A_5 : i32
    %sign3A_7 = arith.constant 0 : i32
    %sign3A_8 = arith.cmpi sgt, %jit3A, %sign3A_7 : i32
    %sign3A_9 = arith.extui %sign3A_8 : i1 to i32
    %sign3A_10 = arith.constant 0 : i32
    %sign3A_11 = arith.cmpi slt, %jit3A, %sign3A_10 : i32
    %sign3A_12 = arith.extui %sign3A_11 : i1 to i32
    %sign3A_13 = arith.subi %sign3A_9, %sign3A_12 : i32
    %ne3A = arith.cmpi ne, %sign3A_6, %sign3A_13 : i32
    %rem3A = arith.remsi %add3A, %jit3A : i32
    %ne3A_14 = arith.constant 0 : i32
    %ne3A_15 = arith.cmpi ne, %rem3A, %ne3A_14 : i32
    %and3A = arith.andi %ne3A, %ne3A_15 : i1
    %sub3A = arith.constant 1 : i32
    %sub3A_16 = arith.subi %div3A, %sub3A : i32
    %select_n3A = arith.select %and3A, %sub3A_16, %div3A : i32
    %jit3A_17 = arith.constant 2 : i32
    %eq3A = arith.constant 0 : i32
    %eq3A_18 = arith.cmpi eq, %jit3A_17, %eq3A : i32
    %jit3A_19 = arith.constant 1 : i32
    %select_n3A_20 = arith.select %eq3A_18, %jit3A_19, %jit3A_17 : i32
    %rem3A_21 = arith.remsi %add3A, %select_n3A_20 : i32
    %ne3A_22 = arith.constant 0 : i32
    %ne3A_23 = arith.cmpi ne, %rem3A_21, %ne3A_22 : i32
    %lt3A = arith.constant 0 : i32
    %lt3A_24 = arith.cmpi slt, %rem3A_21, %lt3A : i32
    %lt3A_25 = arith.constant 0 : i32
    %lt3A_26 = arith.cmpi slt, %select_n3A_20, %lt3A_25 : i32
    %ne3A_27 = arith.xori %lt3A_24, %lt3A_26 : i1
    %and3A_28 = arith.andi %ne3A_27, %ne3A_23 : i1
    %add3A_29 = arith.addi %rem3A_21, %select_n3A_20 : i32
    %select_n3A_30 = arith.select %and3A_28, %add3A_29, %rem3A_21 : i32
    "tpu.region"() ({
      %run_scoped3A = tpu.sem_alloc : memref<!tpu.dma_semaphore, #tpu.memory_space<semaphore_mem>>
      tpu.enqueue_dma source(%arg2 : memref<65536xf32, #tpu.memory_space<hbm>>) target(%arg5 : memref<65536xf32, #tpu.memory_space<vmem>>) target_semaphore(%run_scoped3A : memref<!tpu.dma_semaphore, #tpu.memory_space<semaphore_mem>>)
      tpu.wait_dma2 semaphore(%run_scoped3A : memref<!tpu.dma_semaphore, #tpu.memory_space<semaphore_mem>>) src(%arg2 : memref<65536xf32, #tpu.memory_space<hbm>>) dst(%arg5 : memref<65536xf32, #tpu.memory_space<vmem>>)
      tpu.yield
    }) : () -> ()
    "tpu.region"() ({
      %run_scoped3A = tpu.sem_alloc : memref<!tpu.dma_semaphore, #tpu.memory_space<semaphore_mem>>
      %dma_start3A = arith.constant 0 : i32
      %dma_start3A_37 = tpu.memref_slice %arg3[%select_n3A, %dma_start3A] : memref<16x1024xi32, #tpu.memory_space<hbm>> -> memref<1x1024xi32, #tpu.memory_space<hbm>>
      %dma_start3A_38 = tpu.memref_squeeze %dma_start3A_37 : memref<1x1024xi32, #tpu.memory_space<hbm>> -> memref<1024xi32, #tpu.memory_space<hbm>>
      %dma_start3A_39 = arith.constant 0 : i32
      %dma_start3A_40 = tpu.memref_slice %arg3[%select_n3A, %dma_start3A_39] : memref<16x1024xi32, #tpu.memory_space<hbm>> -> memref<1x1024xi32, #tpu.memory_space<hbm>>
      %dma_start3A_41 = tpu.memref_squeeze %dma_start3A_40 : memref<1x1024xi32, #tpu.memory_space<hbm>> -> memref<1024xi32, #tpu.memory_space<hbm>>
      tpu.enqueue_dma source(%dma_start3A_41 : memref<1024xi32, #tpu.memory_space<hbm>>) target(%arg6 : memref<1024xi32, #tpu.memory_space<vmem>>) target_semaphore(%run_scoped3A : memref<!tpu.dma_semaphore, #tpu.memory_space<semaphore_mem>>)
      %dma_wait3A = arith.constant 0 : i32
      %dma_wait3A_42 = tpu.memref_slice %arg3[%select_n3A, %dma_wait3A] : memref<16x1024xi32, #tpu.memory_space<hbm>> -> memref<1x1024xi32, #tpu.memory_space<hbm>>
      %dma_wait3A_43 = tpu.memref_squeeze %dma_wait3A_42 : memref<1x1024xi32, #tpu.memory_space<hbm>> -> memref<1024xi32, #tpu.memory_space<hbm>>
      %dma_wait3A_44 = arith.constant 0 : i32
      %dma_wait3A_45 = tpu.memref_slice %arg3[%select_n3A, %dma_wait3A_44] : memref<16x1024xi32, #tpu.memory_space<hbm>> -> memref<1x1024xi32, #tpu.memory_space<hbm>>
      %dma_wait3A_46 = tpu.memref_squeeze %dma_wait3A_45 : memref<1x1024xi32, #tpu.memory_space<hbm>> -> memref<1024xi32, #tpu.memory_space<hbm>>
      tpu.wait_dma2 semaphore(%run_scoped3A : memref<!tpu.dma_semaphore, #tpu.memory_space<semaphore_mem>>) src(%dma_wait3A_46 : memref<1024xi32, #tpu.memory_space<hbm>>) dst(%arg6 : memref<1024xi32, #tpu.memory_space<vmem>>)
      tpu.yield
    }) : () -> ()
    %mul3A_31 = arith.constant 32 : i32
    %mul3A_32 = arith.muli %select_n3A_30, %mul3A_31 : i32
    %parallel_loop3A = arith.constant 0 : i32
    %parallel_loop3A_33 = arith.constant 64 : i32
    %parallel_loop3A_34 = arith.constant 1 : i32
    scf.for %parallel_loop3A_37 = %parallel_loop3A to %parallel_loop3A_33 step %parallel_loop3A_34  : i32 {
      %parallel_loop3A_38 = arith.constant 16 : i32
      %parallel_loop3A_39 = arith.muli %parallel_loop3A_37, %parallel_loop3A_38 : i32
      %parallel_loop3A_40 = arith.index_cast %parallel_loop3A_39 : i32 to index
      %parallel_loop3A_41 = tpu.vector_load %arg6[%parallel_loop3A_40] {strides = array<i32>} : memref<1024xi32, #tpu.memory_space<vmem>>, vector<16xi32>,
      %parallel_loop3A_42 = arith.constant 64 : i32
      %parallel_loop3A_43 = vector.broadcast %parallel_loop3A_42 : i32 to vector<16xi32>
      %parallel_loop3A_44 = arith.muli %parallel_loop3A_41, %parallel_loop3A_43 : vector<16xi32>
      %parallel_loop3A_45 = vector.broadcast %mul3A_32 : i32 to vector<16xi32>
      %parallel_loop3A_46 = arith.addi %parallel_loop3A_44, %parallel_loop3A_45 : vector<16xi32>
      %parallel_loop3A_47 = arith.constant 0 : i32
      %parallel_loop3A_48 = vector.broadcast %parallel_loop3A_47 : i32 to vector<16xi32>
      %parallel_loop3A_49 = arith.addi %parallel_loop3A_46, %parallel_loop3A_48 : vector<16xi32>
      %parallel_loop3A_50 = tpu.vector_load_idx %arg5[%parallel_loop3A_49] : memref<65536xf32, #tpu.memory_space<vmem>>[vector<16xi32>], vector<16xf32>,
      %parallel_loop3A_51 = arith.constant 0 : i32
      %parallel_loop3A_52 = arith.index_cast %parallel_loop3A_51 : i32 to index
      %parallel_loop3A_53 = arith.index_cast %parallel_loop3A_39 : i32 to index
      %parallel_loop3A_54 = tpu.vector_load %arg7[%parallel_loop3A_52, %parallel_loop3A_53] {strides = array<i32>} : memref<32x1024xf32, #tpu.memory_space<vmem>>, vector<16xf32>,
      tpu.vector_store %arg7[%parallel_loop3A_52, %parallel_loop3A_53], %parallel_loop3A_50 {strides = array<i32>} : memref<32x1024xf32, #tpu.memory_space<vmem>>, vector<16xf32>,
      %parallel_loop3A_55 = arith.constant 1 : i32
      %parallel_loop3A_56 = vector.broadcast %parallel_loop3A_55 : i32 to vector<16xi32>
      %parallel_loop3A_57 = arith.addi %parallel_loop3A_46, %parallel_loop3A_56 : vector<16xi32>
      %parallel_loop3A_58 = tpu.vector_load_idx %arg5[%parallel_loop3A_57] : memref<65536xf32, #tpu.memory_space<vmem>>[vector<16xi32>], vector<16xf32>,
      %parallel_loop3A_59 = arith.constant 1 : i32
      %parallel_loop3A_60 = arith.index_cast %parallel_loop3A_59 : i32 to index
      %parallel_loop3A_61 = arith.index_cast %parallel_loop3A_39 : i32 to index
      %parallel_loop3A_62 = tpu.vector_load %arg7[%parallel_loop3A_60, %parallel_loop3A_61] {strides = array<i32>} : memref<32x1024xf32, #tpu.memory_space<vmem>>, vector<16xf32>,
      tpu.vector_store %arg7[%parallel_loop3A_60, %parallel_loop3A_61], %parallel_loop3A_58 {strides = array<i32>} : memref<32x1024xf32, #tpu.memory_space<vmem>>, vector<16xf32>,
      %parallel_loop3A_63 = arith.constant 2 : i32
      %parallel_loop3A_64 = vector.broadcast %parallel_loop3A_63 : i32 to vector<16xi32>
      %parallel_loop3A_65 = arith.addi %parallel_loop3A_46, %parallel_loop3A_64 : vector<16xi32>
      %parallel_loop3A_66 = tpu.vector_load_idx %arg5[%parallel_loop3A_65] : memref<65536xf32, #tpu.memory_space<vmem>>[vector<16xi32>], vector<16xf32>,
      %parallel_loop3A_67 = arith.constant 2 : i32
      %parallel_loop3A_68 = arith.index_cast %parallel_loop3A_67 : i32 to index
      %parallel_loop3A_69 = arith.index_cast %parallel_loop3A_39 : i32 to index
      %parallel_loop3A_70 = tpu.vector_load %arg7[%parallel_loop3A_68, %parallel_loop3A_69] {strides = array<i32>} : memref<32x1024xf32, #tpu.memory_space<vmem>>, vector<16xf32>,
      tpu.vector_store %arg7[%parallel_loop3A_68, %parallel_loop3A_69], %parallel_loop3A_66 {strides = array<i32>} : memref<32x1024xf32, #tpu.memory_space<vmem>>, vector<16xf32>,
      %parallel_loop3A_71 = arith.constant 3 : i32
      %parallel_loop3A_72 = vector.broadcast %parallel_loop3A_71 : i32 to vector<16xi32>
      %parallel_loop3A_73 = arith.addi %parallel_loop3A_46, %parallel_loop3A_72 : vector<16xi32>
      %parallel_loop3A_74 = tpu.vector_load_idx %arg5[%parallel_loop3A_73] : memref<65536xf32, #tpu.memory_space<vmem>>[vector<16xi32>], vector<16xf32>,
      %parallel_loop3A_75 = arith.constant 3 : i32
      %parallel_loop3A_76 = arith.index_cast %parallel_loop3A_75 : i32 to index
      %parallel_loop3A_77 = arith.index_cast %parallel_loop3A_39 : i32 to index
      %parallel_loop3A_78 = tpu.vector_load %arg7[%parallel_loop3A_76, %parallel_loop3A_77] {strides = array<i32>} : memref<32x1024xf32, #tpu.memory_space<vmem>>, vector<16xf32>,
      tpu.vector_store %arg7[%parallel_loop3A_76, %parallel_loop3A_77], %parallel_loop3A_74 {strides = array<i32>} : memref<32x1024xf32, #tpu.memory_space<vmem>>, vector<16xf32>,
      %parallel_loop3A_79 = arith.constant 4 : i32
      %parallel_loop3A_80 = vector.broadcast %parallel_loop3A_79 : i32 to vector<16xi32>
      %parallel_loop3A_81 = arith.addi %parallel_loop3A_46, %parallel_loop3A_80 : vector<16xi32>
      %parallel_loop3A_82 = tpu.vector_load_idx %arg5[%parallel_loop3A_81] : memref<65536xf32, #tpu.memory_space<vmem>>[vector<16xi32>], vector<16xf32>,
      %parallel_loop3A_83 = arith.constant 4 : i32
      %parallel_loop3A_84 = arith.index_cast %parallel_loop3A_83 : i32 to index
      %parallel_loop3A_85 = arith.index_cast %parallel_loop3A_39 : i32 to index
      %parallel_loop3A_86 = tpu.vector_load %arg7[%parallel_loop3A_84, %parallel_loop3A_85] {strides = array<i32>} : memref<32x1024xf32, #tpu.memory_space<vmem>>, vector<16xf32>,
      tpu.vector_store %arg7[%parallel_loop3A_84, %parallel_loop3A_85], %parallel_loop3A_82 {strides = array<i32>} : memref<32x1024xf32, #tpu.memory_space<vmem>>, vector<16xf32>,
      %parallel_loop3A_87 = arith.constant 5 : i32
      %parallel_loop3A_88 = vector.broadcast %parallel_loop3A_87 : i32 to vector<16xi32>
      %parallel_loop3A_89 = arith.addi %parallel_loop3A_46, %parallel_loop3A_88 : vector<16xi32>
      %parallel_loop3A_90 = tpu.vector_load_idx %arg5[%parallel_loop3A_89] : memref<65536xf32, #tpu.memory_space<vmem>>[vector<16xi32>], vector<16xf32>,
      %parallel_loop3A_91 = arith.constant 5 : i32
      %parallel_loop3A_92 = arith.index_cast %parallel_loop3A_91 : i32 to index
      %parallel_loop3A_93 = arith.index_cast %parallel_loop3A_39 : i32 to index
      %parallel_loop3A_94 = tpu.vector_load %arg7[%parallel_loop3A_92, %parallel_loop3A_93] {strides = array<i32>} : memref<32x1024xf32, #tpu.memory_space<vmem>>, vector<16xf32>,
      tpu.vector_store %arg7[%parallel_loop3A_92, %parallel_loop3A_93], %parallel_loop3A_90 {strides = array<i32>} : memref<32x1024xf32, #tpu.memory_space<vmem>>, vector<16xf32>,
      %parallel_loop3A_95 = arith.constant 6 : i32
      %parallel_loop3A_96 = vector.broadcast %parallel_loop3A_95 : i32 to vector<16xi32>
      %parallel_loop3A_97 = arith.addi %parallel_loop3A_46, %parallel_loop3A_96 : vector<16xi32>
      %parallel_loop3A_98 = tpu.vector_load_idx %arg5[%parallel_loop3A_97] : memref<65536xf32, #tpu.memory_space<vmem>>[vector<16xi32>], vector<16xf32>,
      %parallel_loop3A_99 = arith.constant 6 : i32
      %parallel_loop3A_100 = arith.index_cast %parallel_loop3A_99 : i32 to index
      %parallel_loop3A_101 = arith.index_cast %parallel_loop3A_39 : i32 to index
      %parallel_loop3A_102 = tpu.vector_load %arg7[%parallel_loop3A_100, %parallel_loop3A_101] {strides = array<i32>} : memref<32x1024xf32, #tpu.memory_space<vmem>>, vector<16xf32>,
      tpu.vector_store %arg7[%parallel_loop3A_100, %parallel_loop3A_101], %parallel_loop3A_98 {strides = array<i32>} : memref<32x1024xf32, #tpu.memory_space<vmem>>, vector<16xf32>,
      %parallel_loop3A_103 = arith.constant 7 : i32
      %parallel_loop3A_104 = vector.broadcast %parallel_loop3A_103 : i32 to vector<16xi32>
      %parallel_loop3A_105 = arith.addi %parallel_loop3A_46, %parallel_loop3A_104 : vector<16xi32>
      %parallel_loop3A_106 = tpu.vector_load_idx %arg5[%parallel_loop3A_105] : memref<65536xf32, #tpu.memory_space<vmem>>[vector<16xi32>], vector<16xf32>,
      %parallel_loop3A_107 = arith.constant 7 : i32
      %parallel_loop3A_108 = arith.index_cast %parallel_loop3A_107 : i32 to index
      %parallel_loop3A_109 = arith.index_cast %parallel_loop3A_39 : i32 to index
      %parallel_loop3A_110 = tpu.vector_load %arg7[%parallel_loop3A_108, %parallel_loop3A_109] {strides = array<i32>} : memref<32x1024xf32, #tpu.memory_space<vmem>>, vector<16xf32>,
      tpu.vector_store %arg7[%parallel_loop3A_108, %parallel_loop3A_109], %parallel_loop3A_106 {strides = array<i32>} : memref<32x1024xf32, #tpu.memory_space<vmem>>, vector<16xf32>,
      %parallel_loop3A_111 = arith.constant 8 : i32
      %parallel_loop3A_112 = vector.broadcast %parallel_loop3A_111 : i32 to vector<16xi32>
      %parallel_loop3A_113 = arith.addi %parallel_loop3A_46, %parallel_loop3A_112 : vector<16xi32>
      %parallel_loop3A_114 = tpu.vector_load_idx %arg5[%parallel_loop3A_113] : memref<65536xf32, #tpu.memory_space<vmem>>[vector<16xi32>], vector<16xf32>,
      %parallel_loop3A_115 = arith.constant 8 : i32
      %parallel_loop3A_116 = arith.index_cast %parallel_loop3A_115 : i32 to index
      %parallel_loop3A_117 = arith.index_cast %parallel_loop3A_39 : i32 to index
      %parallel_loop3A_118 = tpu.vector_load %arg7[%parallel_loop3A_116, %parallel_loop3A_117] {strides = array<i32>} : memref<32x1024xf32, #tpu.memory_space<vmem>>, vector<16xf32>,
      tpu.vector_store %arg7[%parallel_loop3A_116, %parallel_loop3A_117], %parallel_loop3A_114 {strides = array<i32>} : memref<32x1024xf32, #tpu.memory_space<vmem>>, vector<16xf32>,
      %parallel_loop3A_119 = arith.constant 9 : i32
      %parallel_loop3A_120 = vector.broadcast %parallel_loop3A_119 : i32 to vector<16xi32>
      %parallel_loop3A_121 = arith.addi %parallel_loop3A_46, %parallel_loop3A_120 : vector<16xi32>
      %parallel_loop3A_122 = tpu.vector_load_idx %arg5[%parallel_loop3A_121] : memref<65536xf32, #tpu.memory_space<vmem>>[vector<16xi32>], vector<16xf32>,
      %parallel_loop3A_123 = arith.constant 9 : i32
      %parallel_loop3A_124 = arith.index_cast %parallel_loop3A_123 : i32 to index
      %parallel_loop3A_125 = arith.index_cast %parallel_loop3A_39 : i32 to index
      %parallel_loop3A_126 = tpu.vector_load %arg7[%parallel_loop3A_124, %parallel_loop3A_125] {strides = array<i32>} : memref<32x1024xf32, #tpu.memory_space<vmem>>, vector<16xf32>,
      tpu.vector_store %arg7[%parallel_loop3A_124, %parallel_loop3A_125], %parallel_loop3A_122 {strides = array<i32>} : memref<32x1024xf32, #tpu.memory_space<vmem>>, vector<16xf32>,
      %parallel_loop3A_127 = arith.constant 10 : i32
      %parallel_loop3A_128 = vector.broadcast %parallel_loop3A_127 : i32 to vector<16xi32>
      %parallel_loop3A_129 = arith.addi %parallel_loop3A_46, %parallel_loop3A_128 : vector<16xi32>
      %parallel_loop3A_130 = tpu.vector_load_idx %arg5[%parallel_loop3A_129] : memref<65536xf32, #tpu.memory_space<vmem>>[vector<16xi32>], vector<16xf32>,
      %parallel_loop3A_131 = arith.constant 10 : i32
      %parallel_loop3A_132 = arith.index_cast %parallel_loop3A_131 : i32 to index
      %parallel_loop3A_133 = arith.index_cast %parallel_loop3A_39 : i32 to index
      %parallel_loop3A_134 = tpu.vector_load %arg7[%parallel_loop3A_132, %parallel_loop3A_133] {strides = array<i32>} : memref<32x1024xf32, #tpu.memory_space<vmem>>, vector<16xf32>,
      tpu.vector_store %arg7[%parallel_loop3A_132, %parallel_loop3A_133], %parallel_loop3A_130 {strides = array<i32>} : memref<32x1024xf32, #tpu.memory_space<vmem>>, vector<16xf32>,
      %parallel_loop3A_135 = arith.constant 11 : i32
      %parallel_loop3A_136 = vector.broadcast %parallel_loop3A_135 : i32 to vector<16xi32>
      %parallel_loop3A_137 = arith.addi %parallel_loop3A_46, %parallel_loop3A_136 : vector<16xi32>
      %parallel_loop3A_138 = tpu.vector_load_idx %arg5[%parallel_loop3A_137] : memref<65536xf32, #tpu.memory_space<vmem>>[vector<16xi32>], vector<16xf32>,
      %parallel_loop3A_139 = arith.constant 11 : i32
      %parallel_loop3A_140 = arith.index_cast %parallel_loop3A_139 : i32 to index
      %parallel_loop3A_141 = arith.index_cast %parallel_loop3A_39 : i32 to index
      %parallel_loop3A_142 = tpu.vector_load %arg7[%parallel_loop3A_140, %parallel_loop3A_141] {strides = array<i32>} : memref<32x1024xf32, #tpu.memory_space<vmem>>, vector<16xf32>,
      tpu.vector_store %arg7[%parallel_loop3A_140, %parallel_loop3A_141], %parallel_loop3A_138 {strides = array<i32>} : memref<32x1024xf32, #tpu.memory_space<vmem>>, vector<16xf32>,
      %parallel_loop3A_143 = arith.constant 12 : i32
      %parallel_loop3A_144 = vector.broadcast %parallel_loop3A_143 : i32 to vector<16xi32>
      %parallel_loop3A_145 = arith.addi %parallel_loop3A_46, %parallel_loop3A_144 : vector<16xi32>
      %parallel_loop3A_146 = tpu.vector_load_idx %arg5[%parallel_loop3A_145] : memref<65536xf32, #tpu.memory_space<vmem>>[vector<16xi32>], vector<16xf32>,
      %parallel_loop3A_147 = arith.constant 12 : i32
      %parallel_loop3A_148 = arith.index_cast %parallel_loop3A_147 : i32 to index
      %parallel_loop3A_149 = arith.index_cast %parallel_loop3A_39 : i32 to index
      %parallel_loop3A_150 = tpu.vector_load %arg7[%parallel_loop3A_148, %parallel_loop3A_149] {strides = array<i32>} : memref<32x1024xf32, #tpu.memory_space<vmem>>, vector<16xf32>,
      tpu.vector_store %arg7[%parallel_loop3A_148, %parallel_loop3A_149], %parallel_loop3A_146 {strides = array<i32>} : memref<32x1024xf32, #tpu.memory_space<vmem>>, vector<16xf32>,
      %parallel_loop3A_151 = arith.constant 13 : i32
      %parallel_loop3A_152 = vector.broadcast %parallel_loop3A_151 : i32 to vector<16xi32>
      %parallel_loop3A_153 = arith.addi %parallel_loop3A_46, %parallel_loop3A_152 : vector<16xi32>
      %parallel_loop3A_154 = tpu.vector_load_idx %arg5[%parallel_loop3A_153] : memref<65536xf32, #tpu.memory_space<vmem>>[vector<16xi32>], vector<16xf32>,
      %parallel_loop3A_155 = arith.constant 13 : i32
      %parallel_loop3A_156 = arith.index_cast %parallel_loop3A_155 : i32 to index
      %parallel_loop3A_157 = arith.index_cast %parallel_loop3A_39 : i32 to index
      %parallel_loop3A_158 = tpu.vector_load %arg7[%parallel_loop3A_156, %parallel_loop3A_157] {strides = array<i32>} : memref<32x1024xf32, #tpu.memory_space<vmem>>, vector<16xf32>,
      tpu.vector_store %arg7[%parallel_loop3A_156, %parallel_loop3A_157], %parallel_loop3A_154 {strides = array<i32>} : memref<32x1024xf32, #tpu.memory_space<vmem>>, vector<16xf32>,
      %parallel_loop3A_159 = arith.constant 14 : i32
      %parallel_loop3A_160 = vector.broadcast %parallel_loop3A_159 : i32 to vector<16xi32>
      %parallel_loop3A_161 = arith.addi %parallel_loop3A_46, %parallel_loop3A_160 : vector<16xi32>
      %parallel_loop3A_162 = tpu.vector_load_idx %arg5[%parallel_loop3A_161] : memref<65536xf32, #tpu.memory_space<vmem>>[vector<16xi32>], vector<16xf32>,
      %parallel_loop3A_163 = arith.constant 14 : i32
      %parallel_loop3A_164 = arith.index_cast %parallel_loop3A_163 : i32 to index
      %parallel_loop3A_165 = arith.index_cast %parallel_loop3A_39 : i32 to index
      %parallel_loop3A_166 = tpu.vector_load %arg7[%parallel_loop3A_164, %parallel_loop3A_165] {strides = array<i32>} : memref<32x1024xf32, #tpu.memory_space<vmem>>, vector<16xf32>,
      tpu.vector_store %arg7[%parallel_loop3A_164, %parallel_loop3A_165], %parallel_loop3A_162 {strides = array<i32>} : memref<32x1024xf32, #tpu.memory_space<vmem>>, vector<16xf32>,
      %parallel_loop3A_167 = arith.constant 15 : i32
      %parallel_loop3A_168 = vector.broadcast %parallel_loop3A_167 : i32 to vector<16xi32>
      %parallel_loop3A_169 = arith.addi %parallel_loop3A_46, %parallel_loop3A_168 : vector<16xi32>
      %parallel_loop3A_170 = tpu.vector_load_idx %arg5[%parallel_loop3A_169] : memref<65536xf32, #tpu.memory_space<vmem>>[vector<16xi32>], vector<16xf32>,
      %parallel_loop3A_171 = arith.constant 15 : i32
      %parallel_loop3A_172 = arith.index_cast %parallel_loop3A_171 : i32 to index
      %parallel_loop3A_173 = arith.index_cast %parallel_loop3A_39 : i32 to index
      %parallel_loop3A_174 = tpu.vector_load %arg7[%parallel_loop3A_172, %parallel_loop3A_173] {strides = array<i32>} : memref<32x1024xf32, #tpu.memory_space<vmem>>, vector<16xf32>,
      tpu.vector_store %arg7[%parallel_loop3A_172, %parallel_loop3A_173], %parallel_loop3A_170 {strides = array<i32>} : memref<32x1024xf32, #tpu.memory_space<vmem>>, vector<16xf32>,
      %parallel_loop3A_175 = arith.constant 16 : i32
      %parallel_loop3A_176 = vector.broadcast %parallel_loop3A_175 : i32 to vector<16xi32>
      %parallel_loop3A_177 = arith.addi %parallel_loop3A_46, %parallel_loop3A_176 : vector<16xi32>
      %parallel_loop3A_178 = tpu.vector_load_idx %arg5[%parallel_loop3A_177] : memref<65536xf32, #tpu.memory_space<vmem>>[vector<16xi32>], vector<16xf32>,
      %parallel_loop3A_179 = arith.constant 16 : i32
      %parallel_loop3A_180 = arith.index_cast %parallel_loop3A_179 : i32 to index
      %parallel_loop3A_181 = arith.index_cast %parallel_loop3A_39 : i32 to index
      %parallel_loop3A_182 = tpu.vector_load %arg7[%parallel_loop3A_180, %parallel_loop3A_181] {strides = array<i32>} : memref<32x1024xf32, #tpu.memory_space<vmem>>, vector<16xf32>,
      tpu.vector_store %arg7[%parallel_loop3A_180, %parallel_loop3A_181], %parallel_loop3A_178 {strides = array<i32>} : memref<32x1024xf32, #tpu.memory_space<vmem>>, vector<16xf32>,
      %parallel_loop3A_183 = arith.constant 17 : i32
      %parallel_loop3A_184 = vector.broadcast %parallel_loop3A_183 : i32 to vector<16xi32>
      %parallel_loop3A_185 = arith.addi %parallel_loop3A_46, %parallel_loop3A_184 : vector<16xi32>
      %parallel_loop3A_186 = tpu.vector_load_idx %arg5[%parallel_loop3A_185] : memref<65536xf32, #tpu.memory_space<vmem>>[vector<16xi32>], vector<16xf32>,
      %parallel_loop3A_187 = arith.constant 17 : i32
      %parallel_loop3A_188 = arith.index_cast %parallel_loop3A_187 : i32 to index
      %parallel_loop3A_189 = arith.index_cast %parallel_loop3A_39 : i32 to index
      %parallel_loop3A_190 = tpu.vector_load %arg7[%parallel_loop3A_188, %parallel_loop3A_189] {strides = array<i32>} : memref<32x1024xf32, #tpu.memory_space<vmem>>, vector<16xf32>,
      tpu.vector_store %arg7[%parallel_loop3A_188, %parallel_loop3A_189], %parallel_loop3A_186 {strides = array<i32>} : memref<32x1024xf32, #tpu.memory_space<vmem>>, vector<16xf32>,
      %parallel_loop3A_191 = arith.constant 18 : i32
      %parallel_loop3A_192 = vector.broadcast %parallel_loop3A_191 : i32 to vector<16xi32>
      %parallel_loop3A_193 = arith.addi %parallel_loop3A_46, %parallel_loop3A_192 : vector<16xi32>
      %parallel_loop3A_194 = tpu.vector_load_idx %arg5[%parallel_loop3A_193] : memref<65536xf32, #tpu.memory_space<vmem>>[vector<16xi32>], vector<16xf32>,
      %parallel_loop3A_195 = arith.constant 18 : i32
      %parallel_loop3A_196 = arith.index_cast %parallel_loop3A_195 : i32 to index
      %parallel_loop3A_197 = arith.index_cast %parallel_loop3A_39 : i32 to index
      %parallel_loop3A_198 = tpu.vector_load %arg7[%parallel_loop3A_196, %parallel_loop3A_197] {strides = array<i32>} : memref<32x1024xf32, #tpu.memory_space<vmem>>, vector<16xf32>,
      tpu.vector_store %arg7[%parallel_loop3A_196, %parallel_loop3A_197], %parallel_loop3A_194 {strides = array<i32>} : memref<32x1024xf32, #tpu.memory_space<vmem>>, vector<16xf32>,
      %parallel_loop3A_199 = arith.constant 19 : i32
      %parallel_loop3A_200 = vector.broadcast %parallel_loop3A_199 : i32 to vector<16xi32>
      %parallel_loop3A_201 = arith.addi %parallel_loop3A_46, %parallel_loop3A_200 : vector<16xi32>
      %parallel_loop3A_202 = tpu.vector_load_idx %arg5[%parallel_loop3A_201] : memref<65536xf32, #tpu.memory_space<vmem>>[vector<16xi32>], vector<16xf32>,
      %parallel_loop3A_203 = arith.constant 19 : i32
      %parallel_loop3A_204 = arith.index_cast %parallel_loop3A_203 : i32 to index
      %parallel_loop3A_205 = arith.index_cast %parallel_loop3A_39 : i32 to index
      %parallel_loop3A_206 = tpu.vector_load %arg7[%parallel_loop3A_204, %parallel_loop3A_205] {strides = array<i32>} : memref<32x1024xf32, #tpu.memory_space<vmem>>, vector<16xf32>,
      tpu.vector_store %arg7[%parallel_loop3A_204, %parallel_loop3A_205], %parallel_loop3A_202 {strides = array<i32>} : memref<32x1024xf32, #tpu.memory_space<vmem>>, vector<16xf32>,
      %parallel_loop3A_207 = arith.constant 20 : i32
      %parallel_loop3A_208 = vector.broadcast %parallel_loop3A_207 : i32 to vector<16xi32>
      %parallel_loop3A_209 = arith.addi %parallel_loop3A_46, %parallel_loop3A_208 : vector<16xi32>
      %parallel_loop3A_210 = tpu.vector_load_idx %arg5[%parallel_loop3A_209] : memref<65536xf32, #tpu.memory_space<vmem>>[vector<16xi32>], vector<16xf32>,
      %parallel_loop3A_211 = arith.constant 20 : i32
      %parallel_loop3A_212 = arith.index_cast %parallel_loop3A_211 : i32 to index
      %parallel_loop3A_213 = arith.index_cast %parallel_loop3A_39 : i32 to index
      %parallel_loop3A_214 = tpu.vector_load %arg7[%parallel_loop3A_212, %parallel_loop3A_213] {strides = array<i32>} : memref<32x1024xf32, #tpu.memory_space<vmem>>, vector<16xf32>,
      tpu.vector_store %arg7[%parallel_loop3A_212, %parallel_loop3A_213], %parallel_loop3A_210 {strides = array<i32>} : memref<32x1024xf32, #tpu.memory_space<vmem>>, vector<16xf32>,
      %parallel_loop3A_215 = arith.constant 21 : i32
      %parallel_loop3A_216 = vector.broadcast %parallel_loop3A_215 : i32 to vector<16xi32>
      %parallel_loop3A_217 = arith.addi %parallel_loop3A_46, %parallel_loop3A_216 : vector<16xi32>
      %parallel_loop3A_218 = tpu.vector_load_idx %arg5[%parallel_loop3A_217] : memref<65536xf32, #tpu.memory_space<vmem>>[vector<16xi32>], vector<16xf32>,
      %parallel_loop3A_219 = arith.constant 21 : i32
      %parallel_loop3A_220 = arith.index_cast %parallel_loop3A_219 : i32 to index
      %parallel_loop3A_221 = arith.index_cast %parallel_loop3A_39 : i32 to index
      %parallel_loop3A_222 = tpu.vector_load %arg7[%parallel_loop3A_220, %parallel_loop3A_221] {strides = array<i32>} : memref<32x1024xf32, #tpu.memory_space<vmem>>, vector<16xf32>,
      tpu.vector_store %arg7[%parallel_loop3A_220, %parallel_loop3A_221], %parallel_loop3A_218 {strides = array<i32>} : memref<32x1024xf32, #tpu.memory_space<vmem>>, vector<16xf32>,
      %parallel_loop3A_223 = arith.constant 22 : i32
      %parallel_loop3A_224 = vector.broadcast %parallel_loop3A_223 : i32 to vector<16xi32>
      %parallel_loop3A_225 = arith.addi %parallel_loop3A_46, %parallel_loop3A_224 : vector<16xi32>
      %parallel_loop3A_226 = tpu.vector_load_idx %arg5[%parallel_loop3A_225] : memref<65536xf32, #tpu.memory_space<vmem>>[vector<16xi32>], vector<16xf32>,
      %parallel_loop3A_227 = arith.constant 22 : i32
      %parallel_loop3A_228 = arith.index_cast %parallel_loop3A_227 : i32 to index
      %parallel_loop3A_229 = arith.index_cast %parallel_loop3A_39 : i32 to index
      %parallel_loop3A_230 = tpu.vector_load %arg7[%parallel_loop3A_228, %parallel_loop3A_229] {strides = array<i32>} : memref<32x1024xf32, #tpu.memory_space<vmem>>, vector<16xf32>,
      tpu.vector_store %arg7[%parallel_loop3A_228, %parallel_loop3A_229], %parallel_loop3A_226 {strides = array<i32>} : memref<32x1024xf32, #tpu.memory_space<vmem>>, vector<16xf32>,
      %parallel_loop3A_231 = arith.constant 23 : i32
      %parallel_loop3A_232 = vector.broadcast %parallel_loop3A_231 : i32 to vector<16xi32>
      %parallel_loop3A_233 = arith.addi %parallel_loop3A_46, %parallel_loop3A_232 : vector<16xi32>
      %parallel_loop3A_234 = tpu.vector_load_idx %arg5[%parallel_loop3A_233] : memref<65536xf32, #tpu.memory_space<vmem>>[vector<16xi32>], vector<16xf32>,
      %parallel_loop3A_235 = arith.constant 23 : i32
      %parallel_loop3A_236 = arith.index_cast %parallel_loop3A_235 : i32 to index
      %parallel_loop3A_237 = arith.index_cast %parallel_loop3A_39 : i32 to index
      %parallel_loop3A_238 = tpu.vector_load %arg7[%parallel_loop3A_236, %parallel_loop3A_237] {strides = array<i32>} : memref<32x1024xf32, #tpu.memory_space<vmem>>, vector<16xf32>,
      tpu.vector_store %arg7[%parallel_loop3A_236, %parallel_loop3A_237], %parallel_loop3A_234 {strides = array<i32>} : memref<32x1024xf32, #tpu.memory_space<vmem>>, vector<16xf32>,
      %parallel_loop3A_239 = arith.constant 24 : i32
      %parallel_loop3A_240 = vector.broadcast %parallel_loop3A_239 : i32 to vector<16xi32>
      %parallel_loop3A_241 = arith.addi %parallel_loop3A_46, %parallel_loop3A_240 : vector<16xi32>
      %parallel_loop3A_242 = tpu.vector_load_idx %arg5[%parallel_loop3A_241] : memref<65536xf32, #tpu.memory_space<vmem>>[vector<16xi32>], vector<16xf32>,
      %parallel_loop3A_243 = arith.constant 24 : i32
      %parallel_loop3A_244 = arith.index_cast %parallel_loop3A_243 : i32 to index
      %parallel_loop3A_245 = arith.index_cast %parallel_loop3A_39 : i32 to index
      %parallel_loop3A_246 = tpu.vector_load %arg7[%parallel_loop3A_244, %parallel_loop3A_245] {strides = array<i32>} : memref<32x1024xf32, #tpu.memory_space<vmem>>, vector<16xf32>,
      tpu.vector_store %arg7[%parallel_loop3A_244, %parallel_loop3A_245], %parallel_loop3A_242 {strides = array<i32>} : memref<32x1024xf32, #tpu.memory_space<vmem>>, vector<16xf32>,
      %parallel_loop3A_247 = arith.constant 25 : i32
      %parallel_loop3A_248 = vector.broadcast %parallel_loop3A_247 : i32 to vector<16xi32>
      %parallel_loop3A_249 = arith.addi %parallel_loop3A_46, %parallel_loop3A_248 : vector<16xi32>
      %parallel_loop3A_250 = tpu.vector_load_idx %arg5[%parallel_loop3A_249] : memref<65536xf32, #tpu.memory_space<vmem>>[vector<16xi32>], vector<16xf32>,
      %parallel_loop3A_251 = arith.constant 25 : i32
      %parallel_loop3A_252 = arith.index_cast %parallel_loop3A_251 : i32 to index
      %parallel_loop3A_253 = arith.index_cast %parallel_loop3A_39 : i32 to index
      %parallel_loop3A_254 = tpu.vector_load %arg7[%parallel_loop3A_252, %parallel_loop3A_253] {strides = array<i32>} : memref<32x1024xf32, #tpu.memory_space<vmem>>, vector<16xf32>,
      tpu.vector_store %arg7[%parallel_loop3A_252, %parallel_loop3A_253], %parallel_loop3A_250 {strides = array<i32>} : memref<32x1024xf32, #tpu.memory_space<vmem>>, vector<16xf32>,
      %parallel_loop3A_255 = arith.constant 26 : i32
      %parallel_loop3A_256 = vector.broadcast %parallel_loop3A_255 : i32 to vector<16xi32>
      %parallel_loop3A_257 = arith.addi %parallel_loop3A_46, %parallel_loop3A_256 : vector<16xi32>
      %parallel_loop3A_258 = tpu.vector_load_idx %arg5[%parallel_loop3A_257] : memref<65536xf32, #tpu.memory_space<vmem>>[vector<16xi32>], vector<16xf32>,
      %parallel_loop3A_259 = arith.constant 26 : i32
      %parallel_loop3A_260 = arith.index_cast %parallel_loop3A_259 : i32 to index
      %parallel_loop3A_261 = arith.index_cast %parallel_loop3A_39 : i32 to index
      %parallel_loop3A_262 = tpu.vector_load %arg7[%parallel_loop3A_260, %parallel_loop3A_261] {strides = array<i32>} : memref<32x1024xf32, #tpu.memory_space<vmem>>, vector<16xf32>,
      tpu.vector_store %arg7[%parallel_loop3A_260, %parallel_loop3A_261], %parallel_loop3A_258 {strides = array<i32>} : memref<32x1024xf32, #tpu.memory_space<vmem>>, vector<16xf32>,
      %parallel_loop3A_263 = arith.constant 27 : i32
      %parallel_loop3A_264 = vector.broadcast %parallel_loop3A_263 : i32 to vector<16xi32>
      %parallel_loop3A_265 = arith.addi %parallel_loop3A_46, %parallel_loop3A_264 : vector<16xi32>
      %parallel_loop3A_266 = tpu.vector_load_idx %arg5[%parallel_loop3A_265] : memref<65536xf32, #tpu.memory_space<vmem>>[vector<16xi32>], vector<16xf32>,
      %parallel_loop3A_267 = arith.constant 27 : i32
      %parallel_loop3A_268 = arith.index_cast %parallel_loop3A_267 : i32 to index
      %parallel_loop3A_269 = arith.index_cast %parallel_loop3A_39 : i32 to index
      %parallel_loop3A_270 = tpu.vector_load %arg7[%parallel_loop3A_268, %parallel_loop3A_269] {strides = array<i32>} : memref<32x1024xf32, #tpu.memory_space<vmem>>, vector<16xf32>,
      tpu.vector_store %arg7[%parallel_loop3A_268, %parallel_loop3A_269], %parallel_loop3A_266 {strides = array<i32>} : memref<32x1024xf32, #tpu.memory_space<vmem>>, vector<16xf32>,
      %parallel_loop3A_271 = arith.constant 28 : i32
      %parallel_loop3A_272 = vector.broadcast %parallel_loop3A_271 : i32 to vector<16xi32>
      %parallel_loop3A_273 = arith.addi %parallel_loop3A_46, %parallel_loop3A_272 : vector<16xi32>
      %parallel_loop3A_274 = tpu.vector_load_idx %arg5[%parallel_loop3A_273] : memref<65536xf32, #tpu.memory_space<vmem>>[vector<16xi32>], vector<16xf32>,
      %parallel_loop3A_275 = arith.constant 28 : i32
      %parallel_loop3A_276 = arith.index_cast %parallel_loop3A_275 : i32 to index
      %parallel_loop3A_277 = arith.index_cast %parallel_loop3A_39 : i32 to index
      %parallel_loop3A_278 = tpu.vector_load %arg7[%parallel_loop3A_276, %parallel_loop3A_277] {strides = array<i32>} : memref<32x1024xf32, #tpu.memory_space<vmem>>, vector<16xf32>,
      tpu.vector_store %arg7[%parallel_loop3A_276, %parallel_loop3A_277], %parallel_loop3A_274 {strides = array<i32>} : memref<32x1024xf32, #tpu.memory_space<vmem>>, vector<16xf32>,
      %parallel_loop3A_279 = arith.constant 29 : i32
      %parallel_loop3A_280 = vector.broadcast %parallel_loop3A_279 : i32 to vector<16xi32>
      %parallel_loop3A_281 = arith.addi %parallel_loop3A_46, %parallel_loop3A_280 : vector<16xi32>
      %parallel_loop3A_282 = tpu.vector_load_idx %arg5[%parallel_loop3A_281] : memref<65536xf32, #tpu.memory_space<vmem>>[vector<16xi32>], vector<16xf32>,
      %parallel_loop3A_283 = arith.constant 29 : i32
      %parallel_loop3A_284 = arith.index_cast %parallel_loop3A_283 : i32 to index
      %parallel_loop3A_285 = arith.index_cast %parallel_loop3A_39 : i32 to index
      %parallel_loop3A_286 = tpu.vector_load %arg7[%parallel_loop3A_284, %parallel_loop3A_285] {strides = array<i32>} : memref<32x1024xf32, #tpu.memory_space<vmem>>, vector<16xf32>,
      tpu.vector_store %arg7[%parallel_loop3A_284, %parallel_loop3A_285], %parallel_loop3A_282 {strides = array<i32>} : memref<32x1024xf32, #tpu.memory_space<vmem>>, vector<16xf32>,
      %parallel_loop3A_287 = arith.constant 30 : i32
      %parallel_loop3A_288 = vector.broadcast %parallel_loop3A_287 : i32 to vector<16xi32>
      %parallel_loop3A_289 = arith.addi %parallel_loop3A_46, %parallel_loop3A_288 : vector<16xi32>
      %parallel_loop3A_290 = tpu.vector_load_idx %arg5[%parallel_loop3A_289] : memref<65536xf32, #tpu.memory_space<vmem>>[vector<16xi32>], vector<16xf32>,
      %parallel_loop3A_291 = arith.constant 30 : i32
      %parallel_loop3A_292 = arith.index_cast %parallel_loop3A_291 : i32 to index
      %parallel_loop3A_293 = arith.index_cast %parallel_loop3A_39 : i32 to index
      %parallel_loop3A_294 = tpu.vector_load %arg7[%parallel_loop3A_292, %parallel_loop3A_293] {strides = array<i32>} : memref<32x1024xf32, #tpu.memory_space<vmem>>, vector<16xf32>,
      tpu.vector_store %arg7[%parallel_loop3A_292, %parallel_loop3A_293], %parallel_loop3A_290 {strides = array<i32>} : memref<32x1024xf32, #tpu.memory_space<vmem>>, vector<16xf32>,
      %parallel_loop3A_295 = arith.constant 31 : i32
      %parallel_loop3A_296 = vector.broadcast %parallel_loop3A_295 : i32 to vector<16xi32>
      %parallel_loop3A_297 = arith.addi %parallel_loop3A_46, %parallel_loop3A_296 : vector<16xi32>
      %parallel_loop3A_298 = tpu.vector_load_idx %arg5[%parallel_loop3A_297] : memref<65536xf32, #tpu.memory_space<vmem>>[vector<16xi32>], vector<16xf32>,
      %parallel_loop3A_299 = arith.constant 31 : i32
      %parallel_loop3A_300 = arith.index_cast %parallel_loop3A_299 : i32 to index
      %parallel_loop3A_301 = arith.index_cast %parallel_loop3A_39 : i32 to index
      %parallel_loop3A_302 = tpu.vector_load %arg7[%parallel_loop3A_300, %parallel_loop3A_301] {strides = array<i32>} : memref<32x1024xf32, #tpu.memory_space<vmem>>, vector<16xf32>,
      tpu.vector_store %arg7[%parallel_loop3A_300, %parallel_loop3A_301], %parallel_loop3A_298 {strides = array<i32>} : memref<32x1024xf32, #tpu.memory_space<vmem>>, vector<16xf32>,
    } {sc.loop_unroll_factor = 2 : i64, sc.parallel_access}
    %mul3A_35 = arith.constant 32 : i32
    %mul3A_36 = arith.muli %select_n3A_30, %mul3A_35 : i32
    "tpu.region"() ({
      %run_scoped3A = tpu.sem_alloc : memref<!tpu.dma_semaphore, #tpu.memory_space<semaphore_mem>>
      %dma_start3A = arith.constant 0 : i32
      %dma_start3A_37 = tpu.memref_slice %arg4[%select_n3A, %mul3A_36, %dma_start3A] : memref<16x64x1024xf32, #tpu.memory_space<hbm>> -> memref<1x32x1024xf32, #tpu.memory_space<hbm>>
      %dma_start3A_38 = tpu.memref_squeeze %dma_start3A_37 : memref<1x32x1024xf32, #tpu.memory_space<hbm>> -> memref<32x1024xf32, #tpu.memory_space<hbm>>
      %dma_start3A_39 = arith.constant 0 : i32
      %dma_start3A_40 = tpu.memref_slice %arg4[%select_n3A, %mul3A_36, %dma_start3A_39] : memref<16x64x1024xf32, #tpu.memory_space<hbm>> -> memref<1x32x1024xf32, #tpu.memory_space<hbm>>
      %dma_start3A_41 = tpu.memref_squeeze %dma_start3A_40 : memref<1x32x1024xf32, #tpu.memory_space<hbm>> -> memref<32x1024xf32, #tpu.memory_space<hbm>>
      tpu.enqueue_dma source(%arg7 : memref<32x1024xf32, #tpu.memory_space<vmem>>) target(%dma_start3A_41 : memref<32x1024xf32, #tpu.memory_space<hbm>>) target_semaphore(%run_scoped3A : memref<!tpu.dma_semaphore, #tpu.memory_space<semaphore_mem>>)
      %dma_wait3A = arith.constant 0 : i32
      %dma_wait3A_42 = tpu.memref_slice %arg4[%select_n3A, %mul3A_36, %dma_wait3A] : memref<16x64x1024xf32, #tpu.memory_space<hbm>> -> memref<1x32x1024xf32, #tpu.memory_space<hbm>>
      %dma_wait3A_43 = tpu.memref_squeeze %dma_wait3A_42 : memref<1x32x1024xf32, #tpu.memory_space<hbm>> -> memref<32x1024xf32, #tpu.memory_space<hbm>>
      %dma_wait3A_44 = arith.constant 0 : i32
      %dma_wait3A_45 = tpu.memref_slice %arg4[%select_n3A, %mul3A_36, %dma_wait3A_44] : memref<16x64x1024xf32, #tpu.memory_space<hbm>> -> memref<1x32x1024xf32, #tpu.memory_space<hbm>>
      %dma_wait3A_46 = tpu.memref_squeeze %dma_wait3A_45 : memref<1x32x1024xf32, #tpu.memory_space<hbm>> -> memref<32x1024xf32, #tpu.memory_space<hbm>>
      tpu.wait_dma2 semaphore(%run_scoped3A : memref<!tpu.dma_semaphore, #tpu.memory_space<semaphore_mem>>) src(%arg7 : memref<32x1024xf32, #tpu.memory_space<vmem>>) dst(%dma_wait3A_46 : memref<32x1024xf32, #tpu.memory_space<hbm>>)
      tpu.yield
    }) : () -> ()
    return
  }
}

module attributes {stable_mosaic.version = 14 : i64} {
  func.func @_dist_block(%arg0: i32, %arg1: memref<2048x64xf32, #tpu.memory_space<vmem>>, %arg2: memref<1024x64xf32, #tpu.memory_space<vmem>>, %arg3: memref<1x1x1024xf32, #tpu.memory_space<vmem>>, %arg4: memref<1x1x2048xi32, #tpu.memory_space<vmem>>, %arg5: memref<1x1xf32, #tpu.memory_space<vmem>>) attributes {dimension_semantics = [#tpu.dimension_semantics<arbitrary>], iteration_bounds = array<i64: 8>, scalar_prefetch = 0 : i64, scratch_operands = 0 : i64, tpu.core_type = #tpu.core_type<tc>, window_params = [{transform_indices = @transform_0, window_bounds = array<i64: 2048, 64>}, {pipeline_mode = #tpu.pipeline_mode<synchronous>, transform_indices = @transform_1, window_bounds = array<i64: 1024, 64>}, {pipeline_mode = #tpu.pipeline_mode<synchronous>, transform_indices = @transform_2, window_bounds = array<i64: 1, 1, 1024>}, {transform_indices = @transform_3, window_bounds = array<i64: 1, 1, 2048>}, {pipeline_mode = #tpu.pipeline_mode<synchronous>, transform_indices = @transform_4, window_bounds = array<i64: 1, 1>}]} {
    %get3A = arith.constant 0 : index
    %get3A_0 = arith.constant 0 : index
    %get3A_1 = vector.load %arg1[%get3A, %get3A_0] : memref<2048x64xf32, #tpu.memory_space<vmem>>, vector<2048x64xf32>
    %get3A_2 = arith.constant 0 : index
    %get3A_3 = arith.constant 0 : index
    %get3A_4 = vector.load %arg2[%get3A_2, %get3A_3] : memref<1024x64xf32, #tpu.memory_space<vmem>>, vector<1024x64xf32>
    %mul3A = arith.mulf %get3A_1, %get3A_1 : vector<2048x64xf32>
    %reduce_sum3A = arith.constant dense<0.000000e+00> : vector<2048xf32>
    %reduce_sum3A_5 = vector.multi_reduction <add>, %mul3A, %reduce_sum3A [1] : vector<2048x64xf32> to vector<2048xf32>
    %mul3A_6 = arith.mulf %get3A_4, %get3A_4 : vector<1024x64xf32>
    %reduce_sum3A_7 = arith.constant dense<0.000000e+00> : vector<1024xf32>
    %reduce_sum3A_8 = vector.multi_reduction <add>, %mul3A_6, %reduce_sum3A_7 [1] : vector<1024x64xf32> to vector<1024xf32>
    %dot_general3A = arith.constant dense<0.000000e+00> : vector<2048x1024xf32>
    %dot_general3A_9 = tpu.matmul %get3A_1, %get3A_4, %dot_general3A {dimension_numbers = #tpu.dot_dimension_numbers<[1], [1], [0], [0], [0, 0, 1, 0], [], []>, transpose_lhs_hint = false} : vector<2048x64xf32>, vector<1024x64xf32>, vector<2048x1024xf32> -> vector<2048x1024xf32>
    %broadcast_in_dim3A = vector.shape_cast %reduce_sum3A_5 : vector<2048xf32> to vector<2048x1xf32>
    %broadcast_in_dim3A_10 = vector.shape_cast %reduce_sum3A_8 : vector<1024xf32> to vector<1x1024xf32>
    %add3A = vector.broadcast %broadcast_in_dim3A : vector<2048x1xf32> to vector<2048x1024xf32>
    %add3A_11 = vector.broadcast %broadcast_in_dim3A_10 : vector<1x1024xf32> to vector<2048x1024xf32>
    %add3A_12 = arith.addf %add3A, %add3A_11 : vector<2048x1024xf32>
    %mul3A_13 = arith.constant 2.000000e+00 : f32
    %mul3A_14 = vector.broadcast %mul3A_13 : f32 to vector<2048x1024xf32>
    %mul3A_15 = arith.mulf %mul3A_14, %dot_general3A_9 : vector<2048x1024xf32>
    %sub3A = arith.subf %add3A_12, %mul3A_15 : vector<2048x1024xf32>
    %reduce_min3A = arith.constant dense<0x7F800000> : vector<2048xf32>
    %reduce_min3A_16 = vector.multi_reduction <minimumf>, %sub3A, %reduce_min3A [1] : vector<2048x1024xf32> to vector<2048xf32>
    %get3A_17 = arith.constant 0 : index
    %get3A_18 = arith.constant 0 : index
    %get3A_19 = arith.constant 0 : index
    %get3A_20 = vector.load %arg3[%get3A_17, %get3A_18, %get3A_19] : memref<1x1x1024xf32, #tpu.memory_space<vmem>>, vector<1x1x1024xf32>
    %get3A_21 = vector.shape_cast %get3A_20 : vector<1x1x1024xf32> to vector<1024xf32>
    %broadcast_in_dim3A_22 = vector.shape_cast %reduce_min3A_16 : vector<2048xf32> to vector<2048x1xf32>
    %eq3A = vector.broadcast %broadcast_in_dim3A_22 : vector<2048x1xf32> to vector<2048x1024xf32>
    %eq3A_23 = arith.cmpf oeq, %sub3A, %eq3A : vector<2048x1024xf32>
    %broadcast_in_dim3A_24 = vector.shape_cast %get3A_21 : vector<1024xf32> to vector<1x1024xf32>
    %jit3A = arith.constant 1.023000e+03 : f32
    %broadcast_in_dim3A_25 = vector.shape_cast %broadcast_in_dim3A_24 : vector<1x1024xf32> to vector<1x1024xf32>
    %broadcast_in_dim3A_26 = vector.broadcast %broadcast_in_dim3A_25 : vector<1x1024xf32> to vector<2048x1024xf32>
    %broadcast_in_dim3A_27 = vector.broadcast %jit3A : f32 to vector<2048x1024xf32>
    %select_n3A = arith.select %eq3A_23, %broadcast_in_dim3A_26, %broadcast_in_dim3A_27 : vector<2048x1024xi1>, vector<2048x1024xf32>
    %reduce_min3A_28 = arith.constant dense<0x7F800000> : vector<2048xf32>
    %reduce_min3A_29 = vector.multi_reduction <minimumf>, %select_n3A, %reduce_min3A_28 [1] : vector<2048x1024xf32> to vector<2048xf32>
    %convert_element_type3A = arith.fptosi %reduce_min3A_29 : vector<2048xf32> to vector<2048xi32>
    %swap3A = arith.constant 0 : index
    %swap3A_30 = arith.constant 0 : index
    %swap3A_31 = arith.constant 0 : index
    %swap3A_32 = vector.load %arg4[%swap3A, %swap3A_30, %swap3A_31] : memref<1x1x2048xi32, #tpu.memory_space<vmem>>, vector<1x1x2048xi32>
    %swap3A_33 = vector.shape_cast %swap3A_32 : vector<1x1x2048xi32> to vector<2048xi32>
    %swap3A_34 = vector.shape_cast %convert_element_type3A : vector<2048xi32> to vector<1x1x2048xi32>
    tpu.vector_store %arg4[%swap3A, %swap3A_30, %swap3A_31], %swap3A_34 {strides = array<i32>} : memref<1x1x2048xi32, #tpu.memory_space<vmem>>, vector<1x1x2048xi32>,
    %reduce_sum3A_35 = vector.shape_cast %reduce_min3A_16 : vector<2048xf32> to vector<1x2048xf32>
    %reduce_sum3A_36 = arith.constant dense<0.000000e+00> : vector<1xf32>
    %reduce_sum3A_37 = vector.multi_reduction <add>, %reduce_sum3A_35, %reduce_sum3A_36 [1] : vector<1x2048xf32> to vector<1xf32>
    %reduce_sum3A_38 = vector.shape_cast %reduce_sum3A_37 : vector<1xf32> to vector<1x1xf32>
    %reduce_sum3A_39 = vector.extract %reduce_sum3A_38[0, 0] : f32 from vector<1x1xf32>
    %reshape3A = vector.broadcast %reduce_sum3A_39 : f32 to vector<1x1xf32>
    %eq3A_40 = arith.constant 0 : i32
    %eq3A_41 = arith.cmpi eq, %arg0, %eq3A_40 : i32
    %convert_element_type3A_42 = arith.extui %eq3A_41 : i1 to i32
    %cond3A = arith.constant 0 : i32
    %cond3A_43 = arith.cmpi ne, %convert_element_type3A_42, %cond3A : i32
    scf.if %cond3A_43 {
      %swap3A_48 = arith.constant 0 : index
      %swap3A_49 = arith.constant 0 : index
      %swap3A_50 = vector.load %arg5[%swap3A_48, %swap3A_49] : memref<1x1xf32, #tpu.memory_space<vmem>>, vector<1x1xf32>
      tpu.vector_store %arg5[%swap3A_48, %swap3A_49], %reshape3A {strides = array<i32>} : memref<1x1xf32, #tpu.memory_space<vmem>>, vector<1x1xf32>,
    } else {
    }
    %ne3A = arith.constant 0 : i32
    %ne3A_44 = arith.cmpi ne, %arg0, %ne3A : i32
    %convert_element_type3A_45 = arith.extui %ne3A_44 : i1 to i32
    %cond3A_46 = arith.constant 0 : i32
    %cond3A_47 = arith.cmpi ne, %convert_element_type3A_45, %cond3A_46 : i32
    scf.if %cond3A_47 {
      %get3A_48 = arith.constant 0 : index
      %get3A_49 = arith.constant 0 : index
      %get3A_50 = vector.load %arg5[%get3A_48, %get3A_49] : memref<1x1xf32, #tpu.memory_space<vmem>>, vector<1x1xf32>
      %add3A_51 = arith.addf %get3A_50, %reshape3A : vector<1x1xf32>
      %swap3A_52 = arith.constant 0 : index
      %swap3A_53 = arith.constant 0 : index
      %swap3A_54 = vector.load %arg5[%swap3A_52, %swap3A_53] : memref<1x1xf32, #tpu.memory_space<vmem>>, vector<1x1xf32>
      tpu.vector_store %arg5[%swap3A_52, %swap3A_53], %add3A_51 {strides = array<i32>} : memref<1x1xf32, #tpu.memory_space<vmem>>, vector<1x1xf32>,
    } else {
    }
    return
  }
  func.func @transform_0(%arg0: i32) -> (i32, i32) {
    %c0_i32 = arith.constant 0 : i32
    %c0_i32_0 = arith.constant 0 : i32
    return %arg0, %c0_i32 : i32, i32
  }
  func.func @transform_1(%arg0: i32) -> (i32, i32) {
    %c0_i32 = arith.constant 0 : i32
    %c0_i32_0 = arith.constant 0 : i32
    %c0_i32_1 = arith.constant 0 : i32
    return %c0_i32, %c0_i32_0 : i32, i32
  }
  func.func @transform_2(%arg0: i32) -> (i32, i32, i32) {
    %c0_i32 = arith.constant 0 : i32
    %c0_i32_0 = arith.constant 0 : i32
    %c0_i32_1 = arith.constant 0 : i32
    %c0_i32_2 = arith.constant 0 : i32
    return %c0_i32, %c0_i32_0, %c0_i32_1 : i32, i32, i32
  }
  func.func @transform_3(%arg0: i32) -> (i32, i32, i32) {
    %c0_i32 = arith.constant 0 : i32
    %c0_i32_0 = arith.constant 0 : i32
    %c0_i32_1 = arith.constant 0 : i32
    return %arg0, %c0_i32, %c0_i32_0 : i32, i32, i32
  }
  func.func @transform_4(%arg0: i32) -> (i32, i32) {
    %c0_i32 = arith.constant 0 : i32
    %c0_i32_0 = arith.constant 0 : i32
    %c0_i32_1 = arith.constant 0 : i32
    return %c0_i32, %c0_i32_0 : i32, i32
  }
}

</mosaic_0001>

<sc_bundles>
// kernel: kernel.4.cloned.1.call-start
scs
__scs_entry_jumppad:
0x0: {  	(pc) =	sbr.rel $0x88, $3  }
0x1: {  	(tag) =	ssettag $0x0;
	lr =	simm.s32 $0x1  }
0x2: {  	[smem:$0x3F9F] =	sst lr;
	_ =	strace $0xD0000000  }
0x3: {  	_ = 	snop  }
0x4: {  	_ = 	snop  }
0x5: {  	_ = 	snop  }
0x6: {  	_ = 	snop  }
0x7: {  	_ = 	snop  }
__scs_overlays_trampoline_lowered:
0x8: {  	[smem:$0x3FAE] =	sst s0  }
0x9: {  	[smem:$0x3FAF] =	sst s1  }
0xa: {  	[smem:$0x3FB0] =	sst s2  }
0xb: {  	[smem:$0x3FB1] =	sst s3  }
0xc: {  	[smem:$0x3FB2] =	sst s4  }
0xd: {  	[smem:$0x3FB3] =	sst s5  }
0xe: {  	[smem:$0x3FB4] =	sst s6  }
0xf: {  	[smem:$0x3FB5] =	sst s7  }
0x10: {  	[smem:$0x3FB6] =	sst s8  }
0x11: {  	[smem:$0x3FB7] =	sst s9;
	s0 =	simm.s32 @!p0 $0x0  }
0x12: {  	s1 =	sld [smem:$0x3F9D];
	s0 =	simm.s32 @p0 $0x1  }
0x13: {  	[smem:$0x3FB8] =	sst s0;
	s0 =	simm.s32 @!p1 $0x0  }
0x14: {  	s2 =	sld [smem:$0x3F9C];
	s0 =	simm.s32 @p1 $0x1  }
0x15: {  	[smem:$0x3FB9] =	sst s0;
	s0 =	simm.s32 @!p2 $0x0  }
0x16: {  	s3 =	sld [smem:$0x3FDB];
	s0 =	simm.s32 @p2 $0x1  }
0x17: {  	s4 =	simm.s32 $0x1BF5;
	[smem:$0x3FBB] =	sst s0  }
0x18: {  	s0 =	sld [smem:$0x3F9E];
	_ =	swait.ge [sflag:s4], $0x0  }
0x19: {  	s7 =	sld [smem:$0x3F9F]  }
0x1a: {  	s8 =	sadd.s32 $0xFFFFE003, lr  }
0x1b: {  	s9 =	sadd.s32 $0xFFFFFEF7, lr;
	s5 =	simm.s32 $0xFFFFFFFF;
	p2 =	slt.u32 s8, $0xFFFFF086  }
0x1c: {  	p1 =	slt.u32 s9, $0xF7A;
	s5 =	simm.s32 @!p2 $0x0  }
0x1d: {  	s5 =	simm.s32 @p1 $0x1;
	p0 =	seq.s32 s7, s2  }
0x1e: {  	s7 =	smul.u32 @!p0 $0xF7A, s2;
	p2 =	seq.s32 @!p0 s5, $0x0  }
0x1f: {  	s9 =	smul.u32 $0xF7A, s1;
	s8 =	simm.s32 @!p0 $0x1BF5;
	p2 =	por !p2, p0  }
0x20: {  	[sflag:s8] =	ssyncset.s32 @!p0 $0xFFFFF086;
	s6 =	sadd.s32 @!p0 s3, s7;
	s7 =	simm.s32 @!p0 $0x108  }
0x21: {  	s3 =	sadd.s32 s3, s9;
	s6 =	sadd.s32 @!p0 $0x88, s6;
	s7 =	simm.s32 @p2 $0x1082  }
0x22: {  	[simem:s7], [sflag:s8] =	dma.local @!p0 [hbm:s6], $0xF7A  }
0x23: {  	s9 =	sor.u32 $0xD0000000, s2;
	s6 =	simm.s32 $0x108;
	_ =	swait.ge @!p0 [sflag:s8], $0x0  }
0x24: {  	s3 =	sadd.s32 $0x88, s3;
	s6 =	simm.s32 @!p1 $0x1082;
	[sflag:s4] =	ssyncset.s32 $0xFFFFF086  }
0x25: {  	[simem:s6], [sflag:s4] =	dma.local [hbm:s3], $0xF7A  }
0x26: {  	[smem:$0x3F9F] =	sst s1;
	(tag) =	ssettag s2;
	_ =	strace s9  }
0x27: {  	s1 =	sld [smem:$0x3FAF]  }
0x28: {  	s2 =	sld [smem:$0x3FB0]  }
0x29: {  	s4 =	sld [smem:$0x3FB2]  }
0x2a: {  	p0 =	seq.s32 s5, $0x0;
	s5 =	sld [smem:$0x3FB3]  }
0x2b: {  	s6 =	sld [smem:$0x3FB4]  }
0x2c: {  	s7 =	sld [smem:$0x3FB5]  }
0x2d: {  	s3 =	simm.s32 $0x108;
	s8 =	sld [smem:$0x3FB6]  }
0x2e: {  	s3 =	simm.s32 @!p0 $0x1082;
	s9 =	sld [smem:$0x3FB7]  }
0x2f: {  	lr =	sadd.s32 s0, s3;
	s0 =	sld [smem:$0x3FAE]  }
0x30: {  	s3 =	sld [smem:$0x3FB1]  }
0x31: {  	[smem:$0x3FBA] =	sst s10  }
0x32: {  	s10 =	sld [smem:$0x3FB8];
	_ =	sdelay $0x3  }
0x33: {  	p0 =	seq.s32 s10, $0x1;
	s10 =	sld [smem:$0x3FBA];
	_ =	sdelay $0x3  }
0x34: {  	[smem:$0x3FBA] =	sst s10  }
0x35: {  	s10 =	sld [smem:$0x3FB9];
	_ =	sdelay $0x3  }
0x36: {  	p1 =	seq.s32 s10, $0x1;
	s10 =	sld [smem:$0x3FBA];
	_ =	sdelay $0x3  }
0x37: {  	[smem:$0x3FBA] =	sst s10  }
0x38: {  	s10 =	sld [smem:$0x3FBB]  }
0x39: {  	_ = 	snop;
	(pc) =	sbr.ind lr, $3  }
0x3a: {  	_ = 	snop  }
0x3b: {  	_ = 	snop  }
0x3c: {  	p2 =	seq.s32 s10, $0x1;
	s10 =	sld [smem:$0x3FBA]  }
0x3d: {  	_ =	shalt  }
0x3e: {  	_ =	shalt  }
0x3f: {  	_ =	shalt  }
0x40: {  	_ =	shalt  }
0x41: {  	_ =	shalt  }
0x42: {  	_ =	shalt  }
0x43: {  	_ =	shalt  }
0x44: {  	_ =	shalt  }
0x45: {  	_ =	shalt  }
0x46: {  	_ =	shalt  }
0x47: {  	_ =	shalt  }
0x48: {  	_ =	shalt  }
0x49: {  	_ =	shalt  }
0x4a: {  	_ =	shalt  }
0x4b: {  	_ =	shalt  }
0x4c: {  	_ =	shalt  }
0x4d: {  	_ =	shalt  }
0x4e: {  	_ =	shalt  }
0x4f: {  	_ =	shalt  }
0x50: {  	_ =	shalt  }
0x51: {  	_ =	shalt  }
0x52: {  	_ =	shalt  }
0x53: {  	_ =	shalt  }
0x54: {  	_ =	shalt  }
0x55: {  	_ =	shalt  }
0x56: {  	_ =	shalt  }
0x57: {  	_ =	shalt  }
0x58: {  	_ =	shalt  }
0x59: {  	_ =	shalt  }
0x5a: {  	_ =	shalt  }
0x5b: {  	_ =	shalt  }
0x5c: {  	_ =	shalt  }
0x5d: {  	_ =	shalt  }
0x5e: {  	_ =	shalt  }
0x5f: {  	_ =	shalt  }
0x60: {  	_ =	shalt  }
0x61: {  	_ =	shalt  }
0x62: {  	_ =	shalt  }
0x63: {  	_ =	shalt  }
0x64: {  	_ =	shalt  }
0x65: {  	_ =	shalt  }
0x66: {  	_ =	shalt  }
0x67: {  	_ =	shalt  }
0x68: {  	_ =	shalt  }
0x69: {  	_ =	shalt  }
0x6a: {  	_ =	shalt  }
0x6b: {  	_ =	shalt  }
0x6c: {  	_ =	shalt  }
0x6d: {  	_ =	shalt  }
0x6e: {  	_ =	shalt  }
0x6f: {  	_ =	shalt  }
0x70: {  	_ =	shalt  }
0x71: {  	_ =	shalt  }
0x72: {  	_ =	shalt  }
0x73: {  	_ =	shalt  }
0x74: {  	_ =	shalt  }
0x75: {  	_ =	shalt  }
0x76: {  	_ =	shalt  }
0x77: {  	_ =	shalt  }
0x78: {  	_ =	shalt  }
0x79: {  	_ =	shalt  }
0x7a: {  	_ =	shalt  }
0x7b: {  	_ =	shalt  }
0x7c: {  	_ =	shalt  }
0x7d: {  	_ =	shalt  }
0x7e: {  	_ =	shalt  }
0x7f: {  	_ =	shalt  }
0x80: {  	_ =	shalt  }
0x81: {  	_ =	shalt  }
0x82: {  	_ =	shalt  }
0x83: {  	_ =	shalt  }
0x84: {  	_ =	shalt  }
0x85: {  	_ =	shalt  }
0x86: {  	_ =	shalt  }
0x87: {  	_ =	shalt  }
.Lfunc_end0:
.L_simem_size_0:
called_computation_lowered:
.L_overlay_start_0:
0x88: {  	s2 =	sld [smem:$0x3FD9]  }
0x89: {  	s3 =	sld [smem:$0x3FFE];
	_ =	sdelay $0x1  }
0x8a: {  	s1 =	srdreg.scid  }
0x8b: {  	s0 =	sand.u32 $0x1, s1  }
0x8c: {  	s14 =	sshll.u32 s0, $0xA;
	s2 =	sadd.s32 s3, s2  }
0x8d: {  	s2 =	sadd.s32 s2, s14  }
0x8e: {  	[smem:$0x3FC6] =	sst s2  }
0x8f: {  	_ = 	snop  }
0x90: {  	s2 =	sld [smem:$0x3FD0];
	_ =	sdelay $0x2  }
0x91: {  	s15 =	simm.s32 $0xA;
	s4 =	simm.s32 $0x10  }
0x92: {  	[smem:s4], [sflag:s15] =	dma.local [hbm:s2], $0x1  }
0x93: {  	_ =	swait.eq [sflag:s15], $0x1  }
0x94: {  	[sflag:s15] =	ssyncset.done $0x0  }
0x95: {  	[sflag:s15] =	ssyncadd.s32 $0xFFFFFFFF  }
0x96: {  	s16 =	sld [smem:$0x10];
	(tm) =	ssettm $0x1  }
0x97: {  	s17 =	sld [smem:$0x3FFB];
	_ =	sdelay $0x3  }
0x98: {  	_ =	strace s17  }
0x99: {  	s3 =	sld [smem:$0x3FFC];
	_ =	sdelay $0x3  }
0x9a: {  	_ =	strace s3  }
0x9b: {  	s3 =	sld [smem:$0x3FFD];
	_ =	sdelay $0x3  }
0x9c: {  	_ =	strace s3  }
0x9d: {  	_ =	strace $0x8FFFFFFF  }
0x9e: {  	s18 =	sld [smem:$0x3FDB];
	_ =	sdelay $0x1  }
0x9f: {  	s19 =	simm.s32 $_scs_section_size  }
0xa0: {  	s5 =	simm.s32 $_size__tile_overlayer_lowered;
	s6 =	simm.s32 $_tile_overlayer_lowered  }
0xa1: {  	s22 =	simm.s32 $0x1BFF;
	s21 =	sshll.u32 s6, $0x1;
	s3 =	sadd.s32 s19, s18  }
0xa2: {  	s7 =	simm.s32 $0x0;
	s20 =	sshll.u32 s5, $0x1;
	s5 =	sadd.s32 s21, s3  }
0xa3: {  	[timem:s7], [sflag:s22] =	dma.local [hbm:s5], s20  }
0xa4: {  	_ =	swait.ge [sflag:s22], s20  }
0xa5: {  	s4 =	ssub.s32 $0x0, s20;
	[sflag:s22] =	ssyncset.done $0x0  }
0xa6: {  	[sflag:s22] =	ssyncadd.s32 s4;
	_ =	sdelay $0x1  }
0xa7: {  	s23 =	simm.s32 $0x1B8B  }
0xa8: {  	_ =	swait.ge [sflag:s23], $0x1  }
0xa9: {  	[sflag:s23] =	ssyncset.done $0x0  }
0xaa: {  	s25 =	simm.s32 $0x1B8E;
	s24 =	sld [smem:$0x3FFE];
	[sflag:s23] =	ssyncadd.s32 $0xFFFFFFFF  }
0xab: {  	s26 =	simm.s32 $execute0_lowered;
	[smem:$0x3FD2] =	sst s25  }
0xac: {  	s5 =	sshll.u32 s26, $0x1;
	_ =	strace $0x80000046;
	[dreg:$0x1] =	wrdreg $0xFFFFFFFF  }
0xad: {  	s28 =	simm.s32 $_size_execute0_lowered;
	s3 =	sadd.s32 s3, s5;
	[dreg:$0x0] =	wrdreg $0x0  }
0xae: {  	s5 =	sshll.u32 s28, $0x1;
	[dreg:$0x2] =	wrdreg s3  }
0xaf: {  	[dreg:$0x3] =	wrdreg s5  }
0xb0: {  	[dreg:$0x4] =	wrdreg $0xC0  }
0xb1: {  	_ =	task [dreg:s7], $0x5FFFF  }
0xb2: {  	[dreg:$0x1] =	wrdreg $0xFFFFFFFF  }
0xb3: {  	[dreg:$0x0] =	wrdreg $0x60  }
0xb4: {  	[dreg:$0x2] =	wrdreg s16  }
0xb5: {  	[dreg:$0x3] =	wrdreg s24  }
0xb6: {  	[dreg:$0x4] =	wrdreg $0x9  }
0xb7: {  	_ =	task.clear_ibuf [dreg:s7], $0x5FFFF;
	_ =	strace $0x90000046  }
0xb8: {  	s29 =	simm.s32 $0x9;
	_ =	strace $0x80000048  }
0xb9: {  	_ =	swait.ge [sflag:s29], $0x1  }
0xba: {  	[sflag:s29] =	ssyncadd.s32 $0xFFFFFFFF  }
0xbb: {  	_ =	strace $0x90000048  }
0xbc: {  	_ =	sfence  }
0xbd: {  	s30 =	sld [smem:$0x0];
	_ =	sdelay $0x2  }
0xbe: {  	s31 =	sshll.u32 s1, $0xD;
	s1 =	sshrl.u32 s1, $0x2  }
0xbf: {  	s3 =	sand.u32 $0x4000, s31;
	s1 =	sadd.s32 s1, s30  }
0xc0: {  	s0 =	sor.u32 s3, s0;
	s1 =	sshll.u32 s1, $0x11  }
0xc1: {  	s0 =	sor.u32 s1, s0  }
0xc2: {  	s0 =	sadd.s32 $0x8F2B, s0  }
0xc3: {  	[sflag:s0] =	ssyncadd.remote.s32 $0x1  }
0xc4: {  	_ =	sfence.sel $0xFFFF  }
0xc5: {  	[dreg:$0x0] =	wrdreg $0xFFFFFFFF;
	(pc) =	sbr.abs _section_cstart, $3  }
0xc6: {  	[dreg:$0x1] =	wrdreg $0xFFFFFFFF  }
0xc7: {  	_ =	task.clear_ibuf [dreg:s7], $0x2FFFF;
	_ =	strace $0x9FFFFFFF  }
0xc8: {  	(tm) =	ssettm $0x7FFFFFFF  }
0xc9: {  	_ =	shalt  }
tec
execute0_lowered:
.L_overlay_start_1:
0x0: {  	(tag) =	ssettag $0x1  }
0x1: {  	s0 =	srdreg.scid  }
0x2: {  	s4 =	stileid.u32;
	s0 =	sand.u32 $0x1, s0  }
0x3: {  	s1 =	sor.u32 s0, s4  }
0x4: {  	p1 =	seq.s32 s0, $0x1;
	p0 =	seq.s32 s1, $0x0  }
0x5: {  	p0 =	por !p0, !p1  }
0x6: {  	s1 =	simm.s32 $0x1;
	p0 =	por !p0, !p0  }
0x7: {  	s2 =	rddreg [dreg:$0x1];
	s3 =	simm.s32 $0x0;
	s1 =	simm.s32 @!p0 $0x0  }
0x8: {  	[smem:$0x7FF] =	sst s3;
	s7 =	sshll.u32 s0, $0xF;
	s1 =	ssub.s32 s4, s1  }
0x9: {  	s4 =	sshll.u32 s1, $0xA;
	s28 =	sshll.u32 s1, $0x7;
	s1 =	sshll.u32 s1, $0x10  }
0xa: {  	s5 =	sand.u32 $0xFFFFE000, s4;
	s6 =	sand.u32 $0x380, s28;
	s1 =	sor.u32 s7, s1  }
0xb: {  	_ =	strace $0x80000047;
	s5 =	sor.u32 s6, s5;
	s1 =	sshrl.u32 s1, $0x3  }
0xc: {  	s29 =	ssub.s32 $0x2, s0;
	s5 =	sshrl.u32 s5, $0x3;
	s1 =	sadd.s32 s1, s2  }
0xd: {  	s30 =	sshrl.u32 s29, $0x1;
	s5 =	sadd.s32 s5, s2;
	s1 =	sadd.s32 $0xC00, s1  }
0xe: {  	s2 =	ssub.s32 s29, s30;
	s5 =	sadd.s32 $0x400, s5;
	[dreg:$0x4] =	wrdreg s1  }
0xf: {  	s0 =	sshll.u32 s0, $0x5;
	s31 =	smax.u32 s2, $0x1;
	[dreg:$0x3] =	wrdreg s5  }
0x10: {  	s11 =	simm.s32 $0x0;
	v0 =	vmov s0;
	s4 =	simm.s32 $0x1;
	[dreg:$0x5] =	wrdreg s31  }
.LBB2_1:
0x11: {  	s0 =	rddreg [dreg:$0x0]  }
0x12: {  	[tilespmem:s3], [sflag:$0x1] =	stream.linear.gather [hbm4b:s0+s3], $0x10000, $0x38;
	[tilespmem:$0x18400] =	vst v63  }
0x13: {  	_ =	swait.ge [sflag:s4], $0x10000  }
0x14: {  	s26 =	simm.s32 $0x10000;
	s2 =	simm.s32 $0x80;
	[sflag:s4] =	ssyncset.done $0x0  }
0x15: {  	s5 =	simm.s32 $0x400;
	s1 =	rddreg [dreg:$0x3];
	[sflag:s4] =	ssyncadd.s32 $0xFFFF0000  }
0x16: {  	[tilespmem:s26], [sflag:$0x1] =	stream.strided.gather [hbm4b:s1+s2], $0x400, s5, s2, $0x38;
	[tilespmem:$0x18400] =	vst v63  }
0x17: {  	s21 =	sand.u32 $0x60, s3;
	_ =	swait.ge [sflag:s4], $0x400  }
0x18: {  	s6 =	sand.u32 $0x380, s3;
	s22 =	sor.u32 $0x10, s21;
	[sflag:s4] =	ssyncset.done $0x0  }
0x19: {  	s1 =	sor.u32 s22, s6;
	[sflag:s4] =	ssyncadd.s32 $0xFFFFFC00  }
0x1a: {  	v1 =	vld [tilespmem:s1+$0x10000];
	_ =	sdelay $0x4  }
0x1b: {  	v1 =	vshll.u32 v1, $0x6  }
0x1c: {  	v8 =	vor.u32 v0, v1;
	_ =	sdelay $0x2  }
0x1d: {  	v1 =	vld [tilespmem:s26+$0x0];
	_ =	sdelay $0x1  }
0x1e: {  	v2 =	vld.idx.msk [tilespmem:v8+s3+$0x0], $0xffff  }
0x1f: {  	v4 =	vor.u32 $0x1, v8  }
0x20: {  	s24 =	sand.u32 $0x1C00, s3  }
0x21: {  	s7 =	sadd.s32 $0x10400, s24;
	v1 =	vshll.u32 v1, $0x6  }
0x22: {  	s8 =	sor.u32 s22, s7;
	v3 =	vor.u32 v0, v1  }
0x23: {  	[tilespmem:s8+$0x0] =	vst v2  }
0x24: {  	v1 =	vld.idx.msk [tilespmem:v4+s3+$0x0], $0xffff  }
0x25: {  	v2 =	vor.u32 $0x2, v8;
	_ =	sdelay $0x1  }
0x26: {  	v4 =	vld.idx.msk [tilespmem:v3+s3+$0x0], $0xffff  }
0x27: {  	v5 =	vor.u32 $0x1, v3  }
0x28: {  	[tilespmem:s8+$0x80] =	vst v1  }
0x29: {  	v1 =	vld.idx.msk [tilespmem:v2+s3+$0x0], $0xffff  }
0x2a: {  	s0 =	sor.u32 s21, s7;
	v2 =	vor.u32 $0x3, v8  }
0x2b: {  	[tilespmem:s0+$0x0] =	vst v4  }
0x2c: {  	v4 =	vld.idx.msk [tilespmem:v5+s3+$0x0], $0xffff  }
0x2d: {  	v5 =	vor.u32 $0x2, v3  }
0x2e: {  	[tilespmem:s8+$0x100] =	vst v1  }
0x2f: {  	v1 =	vld.idx.msk [tilespmem:v2+s3+$0x0], $0xffff  }
0x30: {  	v2 =	vor.u32 $0x4, v8  }
0x31: {  	[tilespmem:s0+$0x80] =	vst v4  }
0x32: {  	v4 =	vld.idx.msk [tilespmem:v5+s3+$0x0], $0xffff  }
0x33: {  	v5 =	vor.u32 $0x3, v3  }
0x34: {  	[tilespmem:s8+$0x180] =	vst v1  }
0x35: {  	v1 =	vld.idx.msk [tilespmem:v2+s3+$0x0], $0xffff  }
0x36: {  	v2 =	vor.u32 $0x5, v8  }
0x37: {  	[tilespmem:s0+$0x100] =	vst v4  }
0x38: {  	v4 =	vld.idx.msk [tilespmem:v5+s3+$0x0], $0xffff  }
0x39: {  	v5 =	vor.u32 $0x4, v3  }
0x3a: {  	[tilespmem:s8+$0x200] =	vst v1  }
0x3b: {  	v1 =	vld.idx.msk [tilespmem:v2+s3+$0x0], $0xffff  }
0x3c: {  	v2 =	vor.u32 $0x6, v8  }
0x3d: {  	[tilespmem:s0+$0x180] =	vst v4  }
0x3e: {  	v4 =	vld.idx.msk [tilespmem:v5+s3+$0x0], $0xffff  }
0x3f: {  	v5 =	vor.u32 $0x5, v3  }
0x40: {  	[tilespmem:s8+$0x280] =	vst v1  }
0x41: {  	s9 =	sand.u32 $0x3, s3;
	v1 =	vld.idx.msk [tilespmem:v2+s3+$0x0], $0xffff  }
0x42: {  	s1 =	sshll.u32 s9, $0x5;
	v2 =	vor.u32 $0x7, v8  }
0x43: {  	s10 =	sadd.s32 $0x0, s1;
	[tilespmem:s0+$0x200] =	vst v4  }
0x44: {  	s14 =	sadd.s32 $0x10, s10;
	v4 =	vld.idx.msk [tilespmem:v5+s3+$0x0], $0xffff  }
0x45: {  	s15 =	sor.u32 $0x300, s14;
	v5 =	vor.u32 $0x6, v3  }
0x46: {  	[tilespmem:s15+$0x10400] =	vst v1  }
0x47: {  	s1 =	simm.s32 $0x20;
	v1 =	vld.idx.msk [tilespmem:v2+s3+$0x0], $0xffff  }
0x48: {  	s12 =	sand.u32 $0x60, s1;
	v2 =	vor.u32 $0x8, v8  }
0x49: {  	s6 =	sand.u32 $0x380, s1;
	s13 =	sor.u32 $0x10, s12;
	[tilespmem:s0+$0x280] =	vst v4  }
0x4a: {  	s17 =	sor.u32 s13, s6;
	v4 =	vld.idx.msk [tilespmem:v5+s3+$0x0], $0xffff  }
0x4b: {  	s16 =	simm.s32 $0x10020;
	s5 =	sor.u32 $0x380, s14;
	v7 =	vld [tilespmem:s17+$0x10000];
	v6 =	vor.u32 $0x7, v3  }
0x4c: {  	v5 =	vld [tilespmem:s16+$0x0];
	[tilespmem:s5+$0x10400] =	vst v1  }
0x4d: {  	v1 =	vld.idx.msk [tilespmem:v2+s3+$0x0], $0xffff  }
0x4e: {  	s18 =	sor.u32 $0x300, s10;
	v9 =	vor.u32 $0x9, v8  }
0x4f: {  	[tilespmem:s18+$0x10400] =	vst v4  }
0x50: {  	s19 =	sadd.s32 $0x12400, s24;
	v4 =	vld.idx.msk [tilespmem:v6+s3+$0x0], $0xffff  }
0x51: {  	s20 =	sor.u32 s22, s19;
	v6 =	vor.u32 $0x8, v3;
	v2 =	vshll.u32 v7, $0x6  }
0x52: {  	v5 =	vshll.u32 v5, $0x6;
	v2 =	vor.u32 v0, v2;
	[tilespmem:s20+$0x0] =	vst v1  }
0x53: {  	s23 =	sor.u32 s3, s3;
	v1 =	vor.u32 v0, v5;
	v5 =	vld.idx.msk [tilespmem:v9+s3+$0x0], $0xffff  }
0x54: {  	s2 =	sor.u32 $0x380, s23;
	v7 =	vor.u32 $0xA, v8  }
0x55: {  	[tilespmem:s2+$0x10400] =	vst v4  }
0x56: {  	s25 =	sadd.s32 $0x12480, s24;
	v4 =	vld.idx.msk [tilespmem:v6+s3+$0x0], $0xffff  }
0x57: {  	s26 =	sor.u32 s22, s25;
	v6 =	vor.u32 $0x9, v3;
	v9 =	vld.idx.msk [tilespmem:v2+s3+$0x0], $0xffff  }
0x58: {  	v11 =	vor.u32 $0x1, v2;
	s2 =	simm.s32 $0x100;
	v10 =	vld.idx.msk [tilespmem:v1+s3+$0x0], $0xffff;
	[tilespmem:s26+$0x0] =	vst v5  }
0x59: {  	s14 =	sand.u32 $0x1C00, s2;
	v5 =	vor.u32 $0x1, v1;
	v7 =	vld.idx.msk [tilespmem:v7+s3+$0x0], $0xffff  }
0x5a: {  	v12 =	vor.u32 $0xB, v8;
	s0 =	sor.u32 s21, s19;
	s8 =	sadd.s32 $0x10400, s14  }
0x5b: {  	s7 =	sor.u32 s13, s8;
	[tilespmem:s0+$0x0] =	vst v4  }
0x5c: {  	s15 =	sadd.s32 $0x12500, s24;
	s10 =	sor.u32 s12, s8;
	[tilespmem:s7+$0x0] =	vst v9;
	v4 =	vld.idx.msk [tilespmem:v6+s3+$0x0], $0xffff  }
0x5d: {  	s9 =	sor.u32 s22, s15;
	v6 =	vor.u32 $0xA, v3;
	v9 =	vld.idx.msk [tilespmem:v11+s3+$0x0], $0xffff;
	[tilespmem:s10+$0x0] =	vst v10  }
0x5e: {  	v10 =	vor.u32 $0x2, v2;
	v5 =	vld.idx.msk [tilespmem:v5+s3+$0x0], $0xffff;
	[tilespmem:s9+$0x0] =	vst v7  }
0x5f: {  	v7 =	vor.u32 $0x2, v1;
	v11 =	vld.idx.msk [tilespmem:v12+s3+$0x0], $0xffff  }
0x60: {  	s6 =	sor.u32 s21, s25;
	v12 =	vor.u32 $0xC, v8  }
0x61: {  	[tilespmem:s6+$0x0] =	vst v4  }
0x62: {  	s16 =	sadd.s32 $0x12580, s24;
	[tilespmem:s7+$0x80] =	vst v9;
	v4 =	vld.idx.msk [tilespmem:v6+s3+$0x0], $0xffff  }
0x63: {  	s17 =	sor.u32 s22, s16;
	v6 =	vor.u32 $0xB, v3;
	v9 =	vld.idx.msk [tilespmem:v10+s3+$0x0], $0xffff;
	[tilespmem:s10+$0x80] =	vst v5  }
0x64: {  	v5 =	vld.idx.msk [tilespmem:v7+s3+$0x0], $0xffff;
	v7 =	vor.u32 $0x3, v2;
	[tilespmem:s17+$0x0] =	vst v11  }
0x65: {  	v10 =	vor.u32 $0x3, v1;
	v11 =	vld.idx.msk [tilespmem:v12+s3+$0x0], $0xffff  }
0x66: {  	s8 =	sor.u32 s21, s15;
	v12 =	vor.u32 $0xD, v8  }
0x67: {  	[tilespmem:s8+$0x0] =	vst v4  }
0x68: {  	s18 =	sadd.s32 $0x12600, s24;
	v4 =	vld.idx.msk [tilespmem:v6+s3+$0x0], $0xffff;
	[tilespmem:s7+$0x100] =	vst v9  }
0x69: {  	s19 =	sor.u32 s22, s18;
	v6 =	vor.u32 $0xC, v3;
	v7 =	vld.idx.msk [tilespmem:v7+s3+$0x0], $0xffff;
	[tilespmem:s10+$0x100] =	vst v5  }
0x6a: {  	v9 =	vor.u32 $0x4, v2;
	v5 =	vld.idx.msk [tilespmem:v10+s3+$0x0], $0xffff;
	[tilespmem:s19+$0x0] =	vst v11  }
0x6b: {  	v10 =	vor.u32 $0x4, v1;
	v11 =	vld.idx.msk [tilespmem:v12+s3+$0x0], $0xffff  }
0x6c: {  	s6 =	sor.u32 s21, s16;
	v12 =	vor.u32 $0xE, v8  }
0x6d: {  	[tilespmem:s6+$0x0] =	vst v4  }
0x6e: {  	s20 =	sadd.s32 $0x12680, s24;
	v4 =	vld.idx.msk [tilespmem:v6+s3+$0x0], $0xffff;
	[tilespmem:s7+$0x180] =	vst v7  }
0x6f: {  	s23 =	sor.u32 s22, s20;
	v6 =	vor.u32 $0xD, v3;
	v7 =	vld.idx.msk [tilespmem:v9+s3+$0x0], $0xffff;
	[tilespmem:s10+$0x180] =	vst v5  }
0x70: {  	v9 =	vor.u32 $0x5, v2;
	v5 =	vld.idx.msk [tilespmem:v10+s3+$0x0], $0xffff;
	[tilespmem:s23+$0x0] =	vst v11  }
0x71: {  	v10 =	vor.u32 $0x5, v1;
	v11 =	vld.idx.msk [tilespmem:v12+s3+$0x0], $0xffff  }
0x72: {  	s8 =	sor.u32 s21, s18;
	v12 =	vor.u32 $0xF, v8  }
0x73: {  	[tilespmem:s8+$0x0] =	vst v4  }
0x74: {  	s25 =	sadd.s32 $0x12700, s24;
	v4 =	vld.idx.msk [tilespmem:v6+s3+$0x0], $0xffff;
	[tilespmem:s7+$0x200] =	vst v7  }
0x75: {  	s26 =	sor.u32 s22, s25;
	v6 =	vor.u32 $0xE, v3;
	v7 =	vld.idx.msk [tilespmem:v9+s3+$0x0], $0xffff;
	[tilespmem:s10+$0x200] =	vst v5  }
0x76: {  	v9 =	vor.u32 $0x6, v2;
	v5 =	vld.idx.msk [tilespmem:v10+s3+$0x0], $0xffff;
	[tilespmem:s26+$0x0] =	vst v11  }
0x77: {  	v10 =	vor.u32 $0x6, v1;
	v11 =	vld.idx.msk [tilespmem:v12+s3+$0x0], $0xffff  }
0x78: {  	s6 =	sor.u32 s21, s20;
	v12 =	vor.u32 $0x10, v8  }
0x79: {  	[tilespmem:s6+$0x0] =	vst v4  }
0x7a: {  	s6 =	simm.s32 $0x1;
	v4 =	vld.idx.msk [tilespmem:v6+s3+$0x0], $0xffff;
	[tilespmem:s7+$0x280] =	vst v7;
	s7 =	sadd.s32 $0x12780, s24  }
0x7b: {  	v6 =	vor.u32 $0xF, v3;
	s5 =	sand.u32 $0x3, s6;
	v7 =	vld.idx.msk [tilespmem:v9+s3+$0x0], $0xffff;
	[tilespmem:s10+$0x280] =	vst v5;
	s15 =	sor.u32 s22, s7  }
0x7c: {  	s5 =	sshll.u32 s5, $0x5;
	v9 =	vor.u32 $0x7, v2;
	v5 =	vld.idx.msk [tilespmem:v10+s3+$0x0], $0xffff;
	[tilespmem:s15+$0x0] =	vst v11  }
0x7d: {  	s16 =	sadd.s32 $0x100, s5;
	v10 =	vor.u32 $0x7, v1;
	v11 =	vld.idx.msk [tilespmem:v12+s3+$0x0], $0xffff  }
0x7e: {  	s17 =	sor.u32 s21, s25;
	s18 =	sadd.s32 $0x10, s16;
	v12 =	vor.u32 $0x11, v8  }
0x7f: {  	s19 =	sor.u32 $0x300, s18;
	[tilespmem:s17+$0x0] =	vst v4  }
0x80: {  	s0 =	simm.s32 $0x40;
	s23 =	sadd.s32 $0x14400, s24;
	s20 =	sor.u32 $0x300, s16;
	v4 =	vld.idx.msk [tilespmem:v6+s3+$0x0], $0xffff;
	[tilespmem:s19+$0x10400] =	vst v7  }
0x81: {  	s25 =	sor.u32 s22, s23;
	s15 =	sand.u32 $0x60, s0;
	v6 =	vor.u32 $0x10, v3;
	v7 =	vld.idx.msk [tilespmem:v9+s3+$0x0], $0xffff;
	[tilespmem:s20+$0x10400] =	vst v5  }
0x82: {  	s26 =	sand.u32 $0x380, s0;
	s16 =	sor.u32 $0x10, s15;
	v9 =	vor.u32 $0x8, v2;
	v5 =	vld.idx.msk [tilespmem:v10+s3+$0x0], $0xffff;
	[tilespmem:s25+$0x0] =	vst v11  }
0x83: {  	s9 =	sor.u32 s16, s26;
	v10 =	vor.u32 $0x8, v1;
	v11 =	vld.idx.msk [tilespmem:v12+s3+$0x0], $0xffff  }
0x84: {  	s10 =	simm.s32 $0x10040;
	s6 =	sor.u32 s21, s7;
	v12 =	vld [tilespmem:s9+$0x10000]  }
0x85: {  	s1 =	sor.u32 s2, s1;
	v13 =	vld [tilespmem:s10+$0x0];
	[tilespmem:s6+$0x0] =	vst v4;
	s6 =	sor.u32 $0x380, s18;
	v4 =	vor.u32 $0x12, v8  }
0x86: {  	s1 =	sor.u32 $0x380, s1;
	v6 =	vld.idx.msk [tilespmem:v6+s3+$0x0], $0xffff;
	[tilespmem:s6+$0x10400] =	vst v7  }
0x87: {  	s7 =	sadd.s32 $0x14480, s24;
	v7 =	vor.u32 $0x11, v3;
	v9 =	vld.idx.msk [tilespmem:v9+s3+$0x0], $0xffff;
	[tilespmem:s1+$0x10400] =	vst v5  }
0x88: {  	v14 =	vor.u32 $0x9, v2;
	s8 =	sor.u32 s22, s7;
	v10 =	vld.idx.msk [tilespmem:v10+s3+$0x0], $0xffff  }
0x89: {  	[tilespmem:s8+$0x0] =	vst v11;
	v5 =	vshll.u32 v12, $0x6;
	v11 =	vor.u32 $0x9, v1  }
0x8a: {  	s10 =	sadd.s32 $0x12400, s14;
	s9 =	sor.u32 s21, s23;
	v12 =	vld.idx.msk [tilespmem:v4+s3+$0x0], $0xffff;
	v4 =	vor.u32 v0, v5  }
0x8b: {  	s17 =	sor.u32 s13, s10;
	[tilespmem:s9+$0x0] =	vst v6;
	v6 =	vor.u32 $0x13, v8;
	v5 =	vshll.u32 v13, $0x6  }
0x8c: {  	s5 =	sor.u32 s12, s10;
	v5 =	vor.u32 v0, v5;
	v7 =	vld.idx.msk [tilespmem:v7+s3+$0x0], $0xffff;
	[tilespmem:s17+$0x0] =	vst v9  }
0x8d: {  	s6 =	sadd.s32 $0x14500, s24;
	v13 =	vor.u32 $0x12, v3;
	v9 =	vld.idx.msk [tilespmem:v14+s3+$0x0], $0xffff;
	[tilespmem:s5+$0x0] =	vst v10  }
0x8e: {  	s18 =	sor.u32 s22, s6;
	v10 =	vld.idx.msk [tilespmem:v11+s3+$0x0], $0xffff;
	v11 =	vor.u32 $0xA, v2  }
0x8f: {  	v14 =	vld.idx.msk [tilespmem:v4+s3+$0x0], $0xffff;
	[tilespmem:s18+$0x0] =	vst v12;
	v12 =	vor.u32 $0xA, v1  }
0x90: {  	s19 =	sor.u32 s21, s7;
	s20 =	sadd.s32 $0x12480, s14;
	s1 =	simm.s32 $0x200;
	v15 =	vor.u32 $0x1, v4;
	v6 =	vld.idx.msk [tilespmem:v6+s3+$0x0], $0xffff  }
0x91: {  	s23 =	sor.u32 s13, s20;
	s17 =	sand.u32 $0x1C00, s1;
	v16 =	vld.idx.msk [tilespmem:v5+s3+$0x0], $0xffff;
	[tilespmem:s19+$0x0] =	vst v7;
	v7 =	vor.u32 $0x14, v8  }
0x92: {  	s26 =	sor.u32 s12, s20;
	s25 =	sadd.s32 $0x10400, s17;
	v13 =	vld.idx.msk [tilespmem:v13+s3+$0x0], $0xffff;
	[tilespmem:s23+$0x0] =	vst v9;
	v9 =	vor.u32 $0x1, v5  }
0x93: {  	s7 =	sadd.s32 $0x14580, s24;
	s5 =	sor.u32 s16, s25;
	v11 =	vld.idx.msk [tilespmem:v11+s3+$0x0], $0xffff;
	[tilespmem:s26+$0x0] =	vst v10;
	v10 =	vor.u32 $0x13, v3  }
0x94: {  	s10 =	sor.u32 s22, s7;
	[tilespmem:s5+$0x0] =	vst v14;
	v12 =	vld.idx.msk [tilespmem:v12+s3+$0x0], $0xffff;
	v14 =	vor.u32 $0xB, v2  }
0x95: {  	s2 =	sor.u32 s15, s25;
	v15 =	vld.idx.msk [tilespmem:v15+s3+$0x0], $0xffff;
	[tilespmem:s10+$0x0] =	vst v6;
	v6 =	vor.u32 $0xB, v1  }
0x96: {  	s6 =	sor.u32 s21, s6;
	s18 =	sadd.s32 $0x12500, s14;
	[tilespmem:s2+$0x0] =	vst v16;
	v16 =	vor.u32 $0x2, v4;
	v7 =	vld.idx.msk [tilespmem:v7+s3+$0x0], $0xffff  }
0x97: {  	s19 =	sor.u32 s13, s18;
	[tilespmem:s6+$0x0] =	vst v13;
	v13 =	vor.u32 $0x15, v8;
	v9 =	vld.idx.msk [tilespmem:v9+s3+$0x0], $0xffff  }
0x98: {  	s20 =	sor.u32 s12, s18;
	[tilespmem:s19+$0x0] =	vst v11;
	v10 =	vld.idx.msk [tilespmem:v10+s3+$0x0], $0xffff;
	v11 =	vor.u32 $0x2, v5  }
0x99: {  	s23 =	sadd.s32 $0x14600, s24;
	v14 =	vld.idx.msk [tilespmem:v14+s3+$0x0], $0xffff;
	[tilespmem:s20+$0x0] =	vst v12;
	v12 =	vor.u32 $0x14, v3  }
0x9a: {  	s25 =	sor.u32 s22, s23;
	[tilespmem:s5+$0x80] =	vst v15;
	v6 =	vld.idx.msk [tilespmem:v6+s3+$0x0], $0xffff;
	v15 =	vor.u32 $0xC, v2  }
0x9b: {  	v16 =	vld.idx.msk [tilespmem:v16+s3+$0x0], $0xffff;
	[tilespmem:s25+$0x0] =	vst v7;
	v7 =	vor.u32 $0xC, v1  }
0x9c: {  	s8 =	sor.u32 s21, s7;
	s26 =	sadd.s32 $0x12580, s14;
	[tilespmem:s2+$0x80] =	vst v9;
	v9 =	vld.idx.msk [tilespmem:v13+s3+$0x0], $0xffff;
	v13 =	vor.u32 $0x3, v4  }
0x9d: {  	s7 =	sor.u32 s13, s26;
	v11 =	vld.idx.msk [tilespmem:v11+s3+$0x0], $0xffff;
	[tilespmem:s8+$0x0] =	vst v10;
	v10 =	vor.u32 $0x16, v8  }
0x9e: {  	s9 =	sor.u32 s12, s26;
	[tilespmem:s7+$0x0] =	vst v14;
	v12 =	vld.idx.msk [tilespmem:v12+s3+$0x0], $0xffff;
	v14 =	vor.u32 $0x3, v5  }
0x9f: {  	s8 =	sadd.s32 $0x14680, s24;
	v15 =	vld.idx.msk [tilespmem:v15+s3+$0x0], $0xffff;
	[tilespmem:s9+$0x0] =	vst v6  }
0xa0: {  	s18 =	sor.u32 s22, s8;
	v6 =	vor.u32 $0x15, v3;
	[tilespmem:s5+$0x100] =	vst v16;
	v7 =	vld.idx.msk [tilespmem:v7+s3+$0x0], $0xffff  }
0xa1: {  	v16 =	vor.u32 $0xD, v2;
	v13 =	vld.idx.msk [tilespmem:v13+s3+$0x0], $0xffff;
	[tilespmem:s18+$0x0] =	vst v9  }
0xa2: {  	v9 =	vor.u32 $0xD, v1;
	[tilespmem:s2+$0x100] =	vst v11;
	v10 =	vld.idx.msk [tilespmem:v10+s3+$0x0], $0xffff  }
0xa3: {  	s6 =	sor.u32 s21, s23;
	s19 =	sadd.s32 $0x12600, s14;
	s25 =	simm.s32 $0x10060;
	v11 =	vld.idx.msk [tilespmem:v14+s3+$0x0], $0xffff;
	v14 =	vor.u32 $0x4, v4  }
0xa4: {  	s20 =	sor.u32 s13, s19;
	v17 =	vld [tilespmem:s25+$0x0];
	[tilespmem:s6+$0x0] =	vst v12;
	v12 =	vor.u32 $0x17, v8  }
0xa5: {  	s23 =	sor.u32 s12, s19;
	[tilespmem:s20+$0x0] =	vst v15;
	v6 =	vld.idx.msk [tilespmem:v6+s3+$0x0], $0xffff;
	v15 =	vor.u32 $0x4, v5  }
0xa6: {  	s26 =	sadd.s32 $0x14700, s24;
	v16 =	vld.idx.msk [tilespmem:v16+s3+$0x0], $0xffff;
	[tilespmem:s23+$0x0] =	vst v7;
	v7 =	vor.u32 $0x16, v3  }
0xa7: {  	s7 =	sor.u32 s22, s26;
	[tilespmem:s5+$0x180] =	vst v13;
	v9 =	vld.idx.msk [tilespmem:v9+s3+$0x0], $0xffff;
	v13 =	vor.u32 $0xE, v2  }
0xa8: {  	[tilespmem:s7+$0x0] =	vst v10;
	v10 =	vor.u32 $0xE, v1;
	v14 =	vld.idx.msk [tilespmem:v14+s3+$0x0], $0xffff  }
0xa9: {  	s10 =	sadd.s32 $0x12680, s14;
	s8 =	sor.u32 s21, s8;
	[tilespmem:s2+$0x180] =	vst v11;
	v11 =	vld.idx.msk [tilespmem:v12+s3+$0x0], $0xffff;
	v12 =	vor.u32 $0x5, v4  }
0xaa: {  	s18 =	sor.u32 s13, s10;
	v15 =	vld.idx.msk [tilespmem:v15+s3+$0x0], $0xffff;
	[tilespmem:s8+$0x0] =	vst v6;
	v6 =	vor.u32 $0x18, v8  }
0xab: {  	s19 =	sor.u32 s12, s10;
	[tilespmem:s18+$0x0] =	vst v16;
	v7 =	vld.idx.msk [tilespmem:v7+s3+$0x0], $0xffff;
	v16 =	vor.u32 $0x5, v5  }
0xac: {  	s20 =	sadd.s32 $0x14780, s24;
	v13 =	vld.idx.msk [tilespmem:v13+s3+$0x0], $0xffff;
	[tilespmem:s19+$0x0] =	vst v9;
	v9 =	vor.u32 $0x17, v3  }
0xad: {  	s25 =	sor.u32 s22, s20;
	v10 =	vld.idx.msk [tilespmem:v10+s3+$0x0], $0xffff;
	[tilespmem:s5+$0x200] =	vst v14;
	v14 =	vor.u32 $0xF, v2  }
0xae: {  	[tilespmem:s25+$0x0] =	vst v11;
	v11 =	vor.u32 $0xF, v1;
	v12 =	vld.idx.msk [tilespmem:v12+s3+$0x0], $0xffff  }
0xaf: {  	s6 =	sor.u32 s21, s26;
	s26 =	sadd.s32 $0x12700, s14;
	[tilespmem:s2+$0x200] =	vst v15;
	v6 =	vld.idx.msk [tilespmem:v6+s3+$0x0], $0xffff;
	v15 =	vor.u32 $0x6, v4  }
0xb0: {  	s7 =	sor.u32 s13, s26;
	v16 =	vld.idx.msk [tilespmem:v16+s3+$0x0], $0xffff;
	[tilespmem:s6+$0x0] =	vst v7;
	v7 =	vor.u32 $0x19, v8  }
0xb1: {  	s9 =	sor.u32 s12, s26;
	[tilespmem:s7+$0x0] =	vst v13;
	v9 =	vld.idx.msk [tilespmem:v9+s3+$0x0], $0xffff;
	v13 =	vor.u32 $0x6, v5  }
0xb2: {  	s10 =	sadd.s32 $0x16400, s24;
	[tilespmem:s9+$0x0] =	vst v10;
	v10 =	vor.u32 $0x18, v3;
	v14 =	vld.idx.msk [tilespmem:v14+s3+$0x0], $0xffff  }
0xb3: {  	s23 =	simm.s32 $0x2;
	s18 =	sor.u32 s22, s10;
	v11 =	vld.idx.msk [tilespmem:v11+s3+$0x0], $0xffff;
	[tilespmem:s5+$0x280] =	vst v12;
	v12 =	vor.u32 $0x10, v2  }
0xb4: {  	s19 =	sand.u32 $0x3, s23;
	[tilespmem:s18+$0x0] =	vst v6;
	v6 =	vor.u32 $0x10, v1;
	v15 =	vld.idx.msk [tilespmem:v15+s3+$0x0], $0xffff  }
0xb5: {  	s8 =	sor.u32 s21, s20;
	s20 =	sadd.s32 $0x12780, s14;
	s5 =	sshll.u32 s19, $0x5;
	[tilespmem:s2+$0x280] =	vst v16;
	v7 =	vld.idx.msk [tilespmem:v7+s3+$0x0], $0xffff;
	v16 =	vor.u32 $0x7, v4  }
0xb6: {  	s25 =	sor.u32 s13, s20;
	s5 =	sadd.s32 $0x200, s5;
	v13 =	vld.idx.msk [tilespmem:v13+s3+$0x0], $0xffff;
	[tilespmem:s8+$0x0] =	vst v9;
	v9 =	vor.u32 $0x1A, v8  }
0xb7: {  	s2 =	sor.u32 s12, s20;
	s8 =	sadd.s32 $0x10, s5;
	v10 =	vld.idx.msk [tilespmem:v10+s3+$0x0], $0xffff;
	[tilespmem:s25+$0x0] =	vst v14;
	v14 =	vor.u32 $0x7, v5  }
0xb8: {  	s26 =	sor.u32 $0x300, s8;
	[tilespmem:s2+$0x0] =	vst v11;
	v11 =	vor.u32 $0x19, v3;
	s2 =	sadd.s32 $0x16480, s24;
	v12 =	vld.idx.msk [tilespmem:v12+s3+$0x0], $0xffff  }
0xb9: {  	v6 =	vld.idx.msk [tilespmem:v6+s3+$0x0], $0xffff;
	s7 =	sor.u32 s22, s2;
	[tilespmem:s26+$0x10400] =	vst v15  }
0xba: {  	s5 =	sor.u32 $0x300, s5;
	s25 =	simm.s32 $0x60;
	[tilespmem:s7+$0x0] =	vst v7;
	v16 =	vld.idx.msk [tilespmem:v16+s3+$0x0], $0xffff  }
0xbb: {  	s6 =	sor.u32 s21, s10;
	s18 =	sand.u32 $0x60, s25;
	v15 =	vor.u32 $0x11, v2;
	[tilespmem:s5+$0x10400] =	vst v13;
	v7 =	vld.idx.msk [tilespmem:v9+s3+$0x0], $0xffff  }
0xbc: {  	s10 =	sadd.s32 $0x14400, s14;
	s19 =	sor.u32 $0x10, s18;
	s26 =	sand.u32 $0x380, s25;
	v9 =	vor.u32 $0x8, v4;
	[tilespmem:s6+$0x0] =	vst v10;
	v13 =	vld.idx.msk [tilespmem:v14+s3+$0x0], $0xffff  }
0xbd: {  	s20 =	sor.u32 s13, s10;
	v10 =	vor.u32 $0x1B, v8;
	s6 =	sor.u32 s19, s26;
	v11 =	vld.idx.msk [tilespmem:v11+s3+$0x0], $0xffff  }
0xbe: {  	s7 =	sor.u32 s12, s10;
	v18 =	vld [tilespmem:s6+$0x10000];
	[tilespmem:s20+$0x0] =	vst v12;
	v12 =	vor.u32 $0x8, v5  }
0xbf: {  	v19 =	vor.u32 $0x1A, v3;
	s9 =	sadd.s32 $0x16500, s24;
	s8 =	sor.u32 $0x380, s8;
	[tilespmem:s7+$0x0] =	vst v6  }
0xc0: {  	s0 =	sor.u32 s1, s0;
	s6 =	sor.u32 s22, s9;
	v14 =	vld.idx.msk [tilespmem:v15+s3+$0x0], $0xffff;
	v15 =	vor.u32 $0x11, v1;
	[tilespmem:s8+$0x10400] =	vst v16  }
0xc1: {  	s0 =	sor.u32 $0x380, s0;
	v17 =	vshll.u32 v17, $0x6;
	v16 =	vor.u32 $0x12, v2;
	[tilespmem:s6+$0x0] =	vst v7;
	v9 =	vld.idx.msk [tilespmem:v9+s3+$0x0], $0xffff  }
0xc2: {  	s10 =	sor.u32 s21, s2;
	v7 =	vor.u32 v0, v17;
	v10 =	vld.idx.msk [tilespmem:v10+s3+$0x0], $0xffff;
	[tilespmem:s0+$0x10400] =	vst v13  }
0xc3: {  	s5 =	sadd.s32 $0x14480, s14;
	v13 =	vor.u32 $0x9, v4;
	[tilespmem:s10+$0x0] =	vst v11;
	v6 =	vshll.u32 v18, $0x6;
	v12 =	vld.idx.msk [tilespmem:v12+s3+$0x0], $0xffff  }
0xc4: {  	s8 =	sor.u32 s13, s5;
	v6 =	vor.u32 v0, v6;
	v17 =	vld.idx.msk [tilespmem:v19+s3+$0x0], $0xffff  }
0xc5: {  	s20 =	sadd.s32 $0x12400, s17;
	v15 =	vld.idx.msk [tilespmem:v15+s3+$0x0], $0xffff;
	[tilespmem:s8+$0x0] =	vst v14;
	v14 =	vor.u32 $0x1C, v8  }
0xc6: {  	s26 =	sor.u32 s16, s20;
	v11 =	vor.u32 $0x9, v5;
	s0 =	sadd.s32 $0x16580, s24;
	v16 =	vld.idx.msk [tilespmem:v16+s3+$0x0], $0xffff  }
0xc7: {  	s6 =	sor.u32 s22, s0;
	v19 =	vor.u32 $0x12, v1;
	v18 =	vld.idx.msk [tilespmem:v7+s3+$0x0], $0xffff;
	[tilespmem:s26+$0x0] =	vst v9  }
0xc8: {  	s1 =	sor.u32 s15, s20;
	v9 =	vor.u32 $0x13, v2;
	[tilespmem:s6+$0x0] =	vst v10;
	v13 =	vld.idx.msk [tilespmem:v13+s3+$0x0], $0xffff  }
0xc9: {  	s8 =	sor.u32 s21, s9;
	v10 =	vor.u32 $0x1B, v3;
	[tilespmem:s1+$0x0] =	vst v12;
	v20 =	vld.idx.msk [tilespmem:v6+s3+$0x0], $0xffff  }
0xca: {  	s28 =	simm.s32 $0x300;
	s2 =	sadd.s32 $0x14500, s14;
	s5 =	sor.u32 s12, s5;
	[tilespmem:s8+$0x0] =	vst v17;
	v12 =	vld.idx.msk [tilespmem:v14+s3+$0x0], $0xffff;
	v14 =	vor.u32 $0xA, v4  }
0xcb: {  	s7 =	sor.u32 s13, s2;
	s20 =	sand.u32 $0x1C00, s28;
	s9 =	sadd.s32 $0x12480, s17;
	v17 =	vor.u32 $0x1, v6;
	v11 =	vld.idx.msk [tilespmem:v11+s3+$0x0], $0xffff;
	[tilespmem:s5+$0x0] =	vst v15  }
0xcc: {  	s10 =	sor.u32 s16, s9;
	[tilespmem:s7+$0x0] =	vst v16;
	v16 =	vor.u32 $0x1D, v8;
	v19 =	vld.idx.msk [tilespmem:v19+s3+$0x0], $0xffff;
	s7 =	sadd.s32 $0x10400, s20  }
0xcd: {  	s1 =	sadd.s32 $0x16600, s24;
	v15 =	vor.u32 $0xA, v5;
	s5 =	sor.u32 s15, s9;
	v21 =	vld.idx.msk [tilespmem:v9+s3+$0x0], $0xffff;
	s9 =	sor.u32 s19, s7;
	[tilespmem:s10+$0x0] =	vst v13  }
0xce: {  	s26 =	sor.u32 s22, s1;
	v9 =	vld.idx.msk [tilespmem:v10+s3+$0x0], $0xffff;
	v10 =	vor.u32 $0x1, v7;
	[tilespmem:s9+$0x0] =	vst v20  }
0xcf: {  	v13 =	vor.u32 $0x14, v2;
	v14 =	vld.idx.msk [tilespmem:v14+s3+$0x0], $0xffff;
	[tilespmem:s26+$0x0] =	vst v12  }
0xd0: {  	s8 =	sor.u32 s18, s7;
	[tilespmem:s5+$0x0] =	vst v11;
	v11 =	vor.u32 $0x13, v1;
	v17 =	vld.idx.msk [tilespmem:v17+s3+$0x0], $0xffff  }
0xd1: {  	s2 =	sor.u32 s12, s2;
	[tilespmem:s8+$0x0] =	vst v18;
	s5 =	sadd.s32 $0x14580, s14;
	v12 =	vld.idx.msk [tilespmem:v16+s3+$0x0], $0xffff;
	v16 =	vor.u32 $0xB, v4  }
0xd2: {  	s6 =	sadd.s32 $0x12500, s17;
	v20 =	vor.u32 $0x1E, v8;
	v15 =	vld.idx.msk [tilespmem:v15+s3+$0x0], $0xffff;
	s10 =	sor.u32 s13, s5;
	[tilespmem:s2+$0x0] =	vst v19  }
0xd3: {  	v18 =	vor.u32 $0xB, v5;
	s26 =	sor.u32 s16, s6;
	[tilespmem:s10+$0x0] =	vst v21;
	v10 =	vld.idx.msk [tilespmem:v10+s3+$0x0], $0xffff  }
0xd4: {  	v62 =	vor.u32 $0x2, v6;
	s2 =	sadd.s32 $0x16680, s24;
	v13 =	vld.idx.msk [tilespmem:v13+s3+$0x0], $0xffff;
	[tilespmem:s26+$0x0] =	vst v14  }
0xd5: {  	v19 =	vor.u32 $0x2, v7;
	s7 =	sor.u32 s22, s2;
	v11 =	vld.idx.msk [tilespmem:v11+s3+$0x0], $0xffff;
	[tilespmem:s9+$0x80] =	vst v17  }
0xd6: {  	s6 =	sor.u32 s15, s6;
	v14 =	vor.u32 $0x15, v2;
	v16 =	vld.idx.msk [tilespmem:v16+s3+$0x0], $0xffff;
	[tilespmem:s7+$0x0] =	vst v12  }
0xd7: {  	[tilespmem:s6+$0x0] =	vst v15;
	v12 =	vor.u32 $0x14, v1;
	s6 =	sadd.s32 $0x14600, s14;
	v15 =	vld.idx.msk [tilespmem:v20+s3+$0x0], $0xffff  }
0xd8: {  	v17 =	vld.idx.msk [tilespmem:v18+s3+$0x0], $0xffff;
	v18 =	vor.u32 $0xC, v4;
	s26 =	sor.u32 s13, s6;
	[tilespmem:s8+$0x80] =	vst v10  }
0xd9: {  	v8 =	vor.u32 $0x1F, v8;
	s5 =	sor.u32 s12, s5;
	s10 =	sadd.s32 $0x12580, s17;
	v20 =	vld.idx.msk [tilespmem:v62+s3+$0x0], $0xffff;
	[tilespmem:s26+$0x0] =	vst v13  }
0xda: {  	v10 =	vor.u32 $0xC, v5;
	v19 =	vld.idx.msk [tilespmem:v19+s3+$0x0], $0xffff;
	s26 =	sor.u32 s16, s10;
	[tilespmem:s5+$0x0] =	vst v11;
	s5 =	sadd.s32 $0x16700, s24  }
0xdb: {  	v63 =	vor.u32 $0x3, v6;
	v14 =	vld.idx.msk [tilespmem:v14+s3+$0x0], $0xffff;
	[tilespmem:s26+$0x0] =	vst v16;
	s7 =	sor.u32 s22, s5  }
0xdc: {  	v22 =	vor.u32 $0x3, v7;
	s10 =	sor.u32 s15, s10;
	v11 =	vld.idx.msk [tilespmem:v12+s3+$0x0], $0xffff;
	[tilespmem:s7+$0x0] =	vst v15  }
0xdd: {  	v12 =	vor.u32 $0x16, v2;
	v18 =	vld.idx.msk [tilespmem:v18+s3+$0x0], $0xffff;
	[tilespmem:s10+$0x0] =	vst v17  }
0xde: {  	v23 =	vor.u32 $0x15, v1;
	s10 =	sadd.s32 $0x14680, s14;
	[tilespmem:s9+$0x100] =	vst v20;
	v24 =	vld.idx.msk [tilespmem:v8+s3+$0x0], $0xffff  }
0xdf: {  	s30 =	sor.u32 s21, s1;
	v20 =	vor.u32 $0xD, v4;
	v13 =	vld.idx.msk [tilespmem:v10+s3+$0x0], $0xffff;
	s7 =	sor.u32 s13, s10;
	[tilespmem:s8+$0x100] =	vst v19  }
0xe0: {  	s1 =	sadd.s32 $0x12600, s17;
	s26 =	sor.u32 s21, s2;
	s2 =	sor.u32 s12, s6;
	v16 =	vld.idx.msk [tilespmem:v63+s3+$0x0], $0xffff;
	[tilespmem:s7+$0x0] =	vst v14  }
0xe1: {  	s31 =	sor.u32 s28, s25;
	s29 =	sor.u32 s21, s0;
	v15 =	vor.u32 $0xD, v5;
	v17 =	vld.idx.msk [tilespmem:v22+s3+$0x0], $0xffff;
	s7 =	sor.u32 s16, s1;
	[tilespmem:s2+$0x0] =	vst v11  }
0xe2: {  	s0 =	sor.u32 $0x380, s31;
	s31 =	simm.s32 $0x10080;
	s6 =	sadd.s32 $0x16780, s24;
	v8 =	vld.idx.msk [tilespmem:v12+s3+$0x0], $0xffff;
	[tilespmem:s7+$0x0] =	vst v18;
	v18 =	vor.u32 $0x4, v6  }
0xe3: {  	s24 =	sor.u32 s21, s5;
	s21 =	sor.u32 s21, s6;
	s2 =	sor.u32 s22, s6;
	v11 =	vor.u32 $0x17, v2;
	v10 =	vld.idx.msk [tilespmem:v23+s3+$0x0], $0xffff  }
0xe4: {  	s10 =	sor.u32 s12, s10;
	v19 =	vor.u32 $0x4, v7;
	s22 =	simm.s32 $0x6;
	s6 =	sor.u32 s15, s1;
	[tilespmem:s2+$0x0] =	vst v24;
	v14 =	vld.idx.msk [tilespmem:v20+s3+$0x0], $0xffff  }
.LBB2_2:
0xe5: {  	v12 =	vld [tilespmem:s31+$0x0];
	[tilespmem:s6+$0x0] =	vst v13;
	v13 =	vor.u32 $0x16, v1;
	s2 =	sadd.s32 $0x14700, s14;
	s1 =	smov.u32 s13;
	s13 =	smov.u32 s16  }
0xe6: {  	s16 =	smov.u32 s19;
	[tilespmem:s9+$0x180] =	vst v16;
	v15 =	vld.idx.msk [tilespmem:v15+s3+$0x0], $0xffff;
	v16 =	vor.u32 $0xE, v4;
	s5 =	sor.u32 s12, s2;
	s2 =	sor.u32 s1, s2  }
0xe7: {  	v18 =	vld.idx.msk [tilespmem:v18+s3+$0x0], $0xffff;
	[tilespmem:s2+$0x0] =	vst v8;
	v8 =	vor.u32 $0x1C, v3;
	s2 =	smov.u32 s14;
	s14 =	smov.u32 s17;
	s17 =	smov.u32 s20  }
0xe8: {  	[tilespmem:s8+$0x180] =	vst v17;
	s6 =	sadd.s32 $0x12680, s14;
	v17 =	vor.u32 $0xE, v5;
	v11 =	vld.idx.msk [tilespmem:v11+s3+$0x0], $0xffff  }
0xe9: {  	v20 =	vor.u32 $0x5, v6;
	v19 =	vld.idx.msk [tilespmem:v19+s3+$0x0], $0xffff;
	s19 =	sor.u32 s15, s6;
	s6 =	sor.u32 s13, s6;
	[tilespmem:s10+$0x0] =	vst v10  }
0xea: {  	[tilespmem:s6+$0x0] =	vst v14;
	v10 =	vld.idx.msk [tilespmem:v13+s3+$0x0], $0xffff;
	v13 =	vor.u32 $0x18, v2  }
0xeb: {  	v14 =	vor.u32 $0x5, v7;
	v16 =	vld.idx.msk [tilespmem:v16+s3+$0x0], $0xffff;
	[tilespmem:s29+$0x0] =	vst v9  }
0xec: {  	s6 =	sadd.s32 $0x14780, s2;
	v9 =	vor.u32 $0x17, v1;
	[tilespmem:s19+$0x0] =	vst v15;
	v8 =	vld.idx.msk [tilespmem:v8+s3+$0x0], $0xffff  }
0xed: {  	s10 =	sor.u32 s12, s6;
	s6 =	sor.u32 s1, s6;
	[tilespmem:s9+$0x200] =	vst v18;
	v15 =	vld.idx.msk [tilespmem:v17+s3+$0x0], $0xffff;
	v17 =	vor.u32 $0xF, v4  }
0xee: {  	v18 =	vld.idx.msk [tilespmem:v20+s3+$0x0], $0xffff;
	[tilespmem:s6+$0x0] =	vst v11;
	v11 =	vor.u32 $0x1D, v3  }
0xef: {  	s6 =	sadd.s32 $0x12700, s14;
	[tilespmem:s8+$0x200] =	vst v19;
	v19 =	vor.u32 $0xF, v5;
	v13 =	vld.idx.msk [tilespmem:v13+s3+$0x0], $0xffff  }
0xf0: {  	v20 =	vor.u32 $0x6, v6;
	s19 =	sor.u32 s15, s6;
	s6 =	sor.u32 s13, s6;
	v14 =	vld.idx.msk [tilespmem:v14+s3+$0x0], $0xffff;
	[tilespmem:s5+$0x0] =	vst v10  }
0xf1: {  	v10 =	vor.u32 $0x19, v2;
	[tilespmem:s6+$0x0] =	vst v16;
	v9 =	vld.idx.msk [tilespmem:v9+s3+$0x0], $0xffff  }
0xf2: {  	v16 =	vor.u32 $0x6, v7;
	v17 =	vld.idx.msk [tilespmem:v17+s3+$0x0], $0xffff;
	[tilespmem:s30+$0x0] =	vst v8  }
0xf3: {  	s5 =	sadd.s32 $0x16400, s2;
	v8 =	vor.u32 $0x18, v1;
	[tilespmem:s19+$0x0] =	vst v15;
	v11 =	vld.idx.msk [tilespmem:v11+s3+$0x0], $0xffff  }
0xf4: {  	s6 =	sor.u32 s12, s5;
	s5 =	sor.u32 s1, s5;
	[tilespmem:s9+$0x280] =	vst v18;
	v15 =	vld.idx.msk [tilespmem:v19+s3+$0x0], $0xffff;
	v18 =	vor.u32 $0x10, v4  }
0xf5: {  	s23 =	sadd.s32 $0x1, s23;
	v19 =	vld.idx.msk [tilespmem:v20+s3+$0x0], $0xffff;
	[tilespmem:s5+$0x0] =	vst v13;
	v13 =	vor.u32 $0x1E, v3  }
0xf6: {  	s5 =	sand.u32 $0x3, s23;
	[tilespmem:s8+$0x280] =	vst v14;
	s8 =	sadd.s32 $0x12780, s14;
	v14 =	vor.u32 $0x10, v5;
	v10 =	vld.idx.msk [tilespmem:v10+s3+$0x0], $0xffff  }
0xf7: {  	v20 =	vor.u32 $0x7, v6;
	s5 =	sshll.u32 s5, $0x5;
	v16 =	vld.idx.msk [tilespmem:v16+s3+$0x0], $0xffff;
	s9 =	sor.u32 s15, s8;
	s8 =	sor.u32 s13, s8;
	[tilespmem:s10+$0x0] =	vst v9  }
0xf8: {  	s5 =	sadd.s32 s5, s28;
	v9 =	vor.u32 $0x1A, v2;
	[tilespmem:s8+$0x0] =	vst v17;
	v8 =	vld.idx.msk [tilespmem:v8+s3+$0x0], $0xffff  }
0xf9: {  	s8 =	sor.u32 $0x300, s5;
	v17 =	vor.u32 $0x7, v7;
	s10 =	sadd.s32 $0x10, s5;
	v18 =	vld.idx.msk [tilespmem:v18+s3+$0x0], $0xffff;
	[tilespmem:s26+$0x0] =	vst v11  }
0xfa: {  	s5 =	sor.u32 $0x300, s10;
	v11 =	vor.u32 $0x19, v1;
	[tilespmem:s9+$0x0] =	vst v15;
	s9 =	sadd.s32 $0x16480, s2;
	v13 =	vld.idx.msk [tilespmem:v13+s3+$0x0], $0xffff  }
0xfb: {  	v15 =	vor.u32 $0x11, v4;
	[tilespmem:s5+$0x10400] =	vst v19;
	v14 =	vld.idx.msk [tilespmem:v14+s3+$0x0], $0xffff;
	s20 =	sor.u32 s12, s9;
	s5 =	sor.u32 s1, s9  }
0xfc: {  	v19 =	vld.idx.msk [tilespmem:v20+s3+$0x0], $0xffff;
	[tilespmem:s5+$0x0] =	vst v10;
	v10 =	vor.u32 $0x1F, v3;
	v3 =	vmovc v1;
	v1 =	vmov v5;
	v5 =	vmov v7  }
0xfd: {  	s5 =	sadd.s32 $0x14400, s14;
	[tilespmem:s8+$0x10400] =	vst v16;
	v7 =	vld.idx.msk [tilespmem:v9+s3+$0x0], $0xffff  }
0xfe: {  	s25 =	sadd.s32 $0x20, s25;
	v16 =	vor.u32 $0x8, v6;
	s8 =	sor.u32 s15, s5;
	s9 =	sor.u32 s13, s5;
	v9 =	vld.idx.msk [tilespmem:v17+s3+$0x0], $0xffff;
	[tilespmem:s6+$0x0] =	vst v8  }
0xff: {  	s22 =	sadd.s32 $0x2, s22;
	s5 =	sand.u32 $0x60, s25;
	[tilespmem:s9+$0x0] =	vst v18;
	v8 =	vld.idx.msk [tilespmem:v11+s3+$0x0], $0xffff;
	v11 =	vor.u32 $0x1B, v2  }
0x100: {  	p0 =	slt.u32 s22, $0x3E;
	s19 =	sor.u32 $0x10, s5;
	s6 =	sand.u32 $0x380, s25;
	v17 =	vor.u32 $0x8, v5;
	v15 =	vld.idx.msk [tilespmem:v15+s3+$0x0], $0xffff;
	[tilespmem:s24+$0x0] =	vst v13  }
0x101: {  	s6 =	sor.u32 s19, s6;
	s9 =	sor.u32 $0x380, s10;
	v13 =	vor.u32 $0x11, v1;
	[tilespmem:s8+$0x0] =	vst v14;
	s8 =	sadd.s32 $0x16500, s2;
	v10 =	vld.idx.msk [tilespmem:v10+s3+$0x0], $0xffff  }
0x102: {  	v18 =	vor.u32 $0x12, v4;
	v14 =	vld [tilespmem:s6+$0x10000];
	[tilespmem:s9+$0x10400] =	vst v19;
	s6 =	sor.u32 s12, s8;
	s8 =	sor.u32 s1, s8  }
0x103: {  	v12 =	vshll.u32 v12, $0x6;
	v19 =	vor.u32 $0x1A, v3;
	v16 =	vld.idx.msk [tilespmem:v16+s3+$0x0], $0xffff;
	[tilespmem:s8+$0x0] =	vst v7  }
0x104: {  	v7 =	vor.u32 v0, v12;
	[tilespmem:s0+$0x10400] =	vst v9;
	s0 =	sadd.s32 $0x14480, s14;
	v9 =	vld.idx.msk [tilespmem:v11+s3+$0x0], $0xffff  }
0x105: {  	v12 =	vor.u32 $0x9, v6;
	v11 =	vld.idx.msk [tilespmem:v17+s3+$0x0], $0xffff;
	s8 =	sor.u32 s15, s0;
	s0 =	sor.u32 s13, s0;
	[tilespmem:s20+$0x0] =	vst v8  }
0x106: {  	v8 =	vld.idx.msk [tilespmem:v13+s3+$0x0], $0xffff;
	[tilespmem:s0+$0x0] =	vst v15;
	v13 =	vor.u32 $0x1C, v2  }
0x107: {  	s0 =	sadd.s32 $0x12400, s17;
	v15 =	vor.u32 $0x9, v5;
	v14 =	vshll.u32 v14, $0x6;
	v17 =	vld.idx.msk [tilespmem:v18+s3+$0x0], $0xffff;
	[tilespmem:s21+$0x0] =	vst v10  }
0x108: {  	s10 =	sadd.s32 $0x16580, s2;
	s9 =	sor.u32 s18, s0;
	s0 =	sor.u32 s16, s0;
	v10 =	vor.u32 v0, v14;
	v14 =	vld.idx.msk [tilespmem:v19+s3+$0x0], $0xffff  }
0x109: {  	s29 =	sor.u32 s12, s10;
	v18 =	vld.idx.msk [tilespmem:v7+s3+$0x0], $0xffff;
	[tilespmem:s0+$0x0] =	vst v16;
	v16 =	vor.u32 $0x13, v4;
	s0 =	sor.u32 s1, s10  }
0x10a: {  	v19 =	vor.u32 $0x12, v1;
	v12 =	vld.idx.msk [tilespmem:v12+s3+$0x0], $0xffff;
	[tilespmem:s0+$0x0] =	vst v9  }
0x10b: {  	s0 =	sadd.s32 $0x14500, s14;
	v9 =	vor.u32 $0x1B, v3;
	[tilespmem:s9+$0x0] =	vst v11;
	v11 =	vld.idx.msk [tilespmem:v13+s3+$0x0], $0xffff  }
0x10c: {  	s10 =	sor.u32 s15, s0;
	s0 =	sor.u32 s13, s0;
	v13 =	vld.idx.msk [tilespmem:v15+s3+$0x0], $0xffff;
	v15 =	vor.u32 $0xA, v6;
	[tilespmem:s8+$0x0] =	vst v8  }
0x10d: {  	v8 =	vld.idx.msk [tilespmem:v10+s3+$0x0], $0xffff;
	[tilespmem:s0+$0x0] =	vst v17;
	v17 =	vor.u32 $0x1D, v2  }
0x10e: {  	v20 =	vor.u32 $0xA, v5;
	s8 =	sadd.s32 $0x12480, s17;
	v16 =	vld.idx.msk [tilespmem:v16+s3+$0x0], $0xffff;
	[tilespmem:s6+$0x0] =	vst v14  }
0x10f: {  	s28 =	sadd.s32 $0x100, s28;
	s0 =	sor.u32 s16, s8;
	v14 =	vor.u32 $0x1, v10;
	s6 =	sadd.s32 $0x16600, s2;
	v19 =	vld.idx.msk [tilespmem:v19+s3+$0x0], $0xffff  }
0x110: {  	s20 =	sand.u32 $0x1C00, s28;
	s9 =	sor.u32 s28, s25;
	s21 =	sor.u32 s1, s6;
	[tilespmem:s0+$0x0] =	vst v12;
	v12 =	vor.u32 $0x14, v4;
	v9 =	vld.idx.msk [tilespmem:v9+s3+$0x0], $0xffff  }
0x111: {  	v21 =	vor.u32 $0x1, v7;
	s24 =	sadd.s32 $0x10400, s20;
	s26 =	sor.u32 s18, s8;
	s0 =	sor.u32 $0x380, s9;
	v15 =	vld.idx.msk [tilespmem:v15+s3+$0x0], $0xffff;
	[tilespmem:s21+$0x0] =	vst v11  }
0x112: {  	s8 =	sor.u32 s5, s24;
	s9 =	sor.u32 s19, s24;
	v11 =	vor.u32 $0x13, v1;
	s21 =	sadd.s32 $0x14580, s14;
	[tilespmem:s26+$0x0] =	vst v13;
	v13 =	vld.idx.msk [tilespmem:v17+s3+$0x0], $0xffff  }
0x113: {  	s30 =	sor.u32 s12, s6;
	v17 =	vor.u32 $0xB, v6;
	s24 =	sor.u32 s15, s21;
	s21 =	sor.u32 s13, s21;
	[tilespmem:s9+$0x0] =	vst v8;
	v8 =	vld.idx.msk [tilespmem:v20+s3+$0x0], $0xffff  }
0x114: {  	v14 =	vld.idx.msk [tilespmem:v14+s3+$0x0], $0xffff;
	[tilespmem:s21+$0x0] =	vst v16;
	v16 =	vor.u32 $0x1E, v2  }
0x115: {  	s6 =	sadd.s32 $0x12500, s17;
	[tilespmem:s8+$0x0] =	vst v18;
	v18 =	vor.u32 $0xB, v5;
	v12 =	vld.idx.msk [tilespmem:v12+s3+$0x0], $0xffff  }
0x116: {  	s21 =	sor.u32 s18, s6;
	s6 =	sor.u32 s16, s6;
	v20 =	vld.idx.msk [tilespmem:v21+s3+$0x0], $0xffff;
	v21 =	vor.u32 $0x2, v10;
	[tilespmem:s10+$0x0] =	vst v19;
	s10 =	sadd.s32 $0x16680, s2  }
0x117: {  	[tilespmem:s6+$0x0] =	vst v15;
	v11 =	vld.idx.msk [tilespmem:v11+s3+$0x0], $0xffff;
	v15 =	vor.u32 $0x15, v4;
	s26 =	sor.u32 s12, s10;
	s6 =	sor.u32 s1, s10  }
0x118: {  	v19 =	vor.u32 $0x2, v7;
	v17 =	vld.idx.msk [tilespmem:v17+s3+$0x0], $0xffff;
	[tilespmem:s6+$0x0] =	vst v13  }
0x119: {  	s6 =	sadd.s32 $0x14600, s14;
	[tilespmem:s21+$0x0] =	vst v8;
	v8 =	vor.u32 $0x14, v1;
	v13 =	vld.idx.msk [tilespmem:v16+s3+$0x0], $0xffff  }
0x11a: {  	v16 =	vor.u32 $0xC, v6;
	s21 =	sor.u32 s15, s6;
	s6 =	sor.u32 s13, s6;
	[tilespmem:s9+$0x80] =	vst v14;
	v14 =	vld.idx.msk [tilespmem:v18+s3+$0x0], $0xffff  }
0x11b: {  	v18 =	vld.idx.msk [tilespmem:v21+s3+$0x0], $0xffff;
	[tilespmem:s6+$0x0] =	vst v12;
	v12 =	vor.u32 $0x1F, v2;
	v2 =	vmovc v4;
	v4 =	vmov v6;
	v6 =	vmov v10  }
0x11c: {  	s6 =	sadd.s32 $0x12580, s17;
	v10 =	vor.u32 $0xC, v5;
	[tilespmem:s8+$0x80] =	vst v20;
	v15 =	vld.idx.msk [tilespmem:v15+s3+$0x0], $0xffff  }
0x11d: {  	s7 =	sadd.s32 $0x16700, s2;
	v20 =	vor.u32 $0x3, v6;
	s10 =	sor.u32 s18, s6;
	s6 =	sor.u32 s16, s6;
	v19 =	vld.idx.msk [tilespmem:v19+s3+$0x0], $0xffff;
	[tilespmem:s24+$0x0] =	vst v11  }
0x11e: {  	s24 =	sor.u32 s12, s7;
	[tilespmem:s6+$0x0] =	vst v17;
	v11 =	vld.idx.msk [tilespmem:v8+s3+$0x0], $0xffff;
	v8 =	vor.u32 $0x16, v2;
	s6 =	sor.u32 s1, s7  }
0x11f: {  	v17 =	vor.u32 $0x3, v7;
	v21 =	vld.idx.msk [tilespmem:v16+s3+$0x0], $0xffff;
	[tilespmem:s6+$0x0] =	vst v13  }
0x120: {  	s6 =	sadd.s32 $0x14680, s14;
	[tilespmem:s10+$0x0] =	vst v14;
	v14 =	vor.u32 $0x15, v1;
	v12 =	vld.idx.msk [tilespmem:v12+s3+$0x0], $0xffff  }
0x121: {  	v22 =	vor.u32 $0xD, v4;
	s10 =	sor.u32 s15, s6;
	s6 =	sor.u32 s13, s6;
	[tilespmem:s9+$0x100] =	vst v18;
	v13 =	vld.idx.msk [tilespmem:v10+s3+$0x0], $0xffff  }
.Ltmp0:
0x122: {  	v16 =	vld.idx.msk [tilespmem:v20+s3+$0x0], $0xffff;
	[tilespmem:s6+$0x0] =	vst v15;
	(pc) =	sbr.rel @p0 .LBB2_2-.Ltmp0, $4  }
0x123: {  	s7 =	sadd.s32 $0x12600, s17;
	v15 =	vor.u32 $0xD, v5;
	[tilespmem:s8+$0x100] =	vst v19;
	v8 =	vld.idx.msk [tilespmem:v8+s3+$0x0], $0xffff  }
0x124: {  	s2 =	sadd.s32 $0x16780, s2;
	v18 =	vor.u32 $0x4, v6;
	s6 =	sor.u32 s18, s7;
	s7 =	sor.u32 s16, s7;
	v17 =	vld.idx.msk [tilespmem:v17+s3+$0x0], $0xffff;
	[tilespmem:s21+$0x0] =	vst v11  }
0x125: {  	s1 =	sor.u32 s1, s2;
	v11 =	vor.u32 $0x17, v2;
	s21 =	sor.u32 s12, s2;
	s12 =	smov.u32 s15;
	[tilespmem:s7+$0x0] =	vst v21;
	v10 =	vld.idx.msk [tilespmem:v14+s3+$0x0], $0xffff  }
0x126: {  	s31 =	sadd.s32 $0x20, s31;
	v19 =	vor.u32 $0x4, v7;
	s15 =	smov.u32 s18;
	s18 =	smov.u32 s5;
	v14 =	vld.idx.msk [tilespmem:v22+s3+$0x0], $0xffff;
	[tilespmem:s1+$0x0] =	vst v12  }
0x127: {  	_ =	sdelay $0x2  }
0x128: {  	[tilespmem:s9+$0x180] =	vst v16  }
0x129: {  	v12 =	vld.idx.msk [tilespmem:v18+s3+$0x0], $0xffff;
	[tilespmem:s8+$0x180] =	vst v17  }
0x12a: {  	v26 =	vor.u32 $0x5, v6;
	v25 =	vld.idx.msk [tilespmem:v19+s3+$0x0], $0xffff  }
0x12b: {  	v27 =	vor.u32 $0x5, v7;
	_ =	sdelay $0x2  }
0x12c: {  	[tilespmem:s9+$0x200] =	vst v12  }
0x12d: {  	v12 =	vld.idx.msk [tilespmem:v26+s3+$0x0], $0xffff;
	[tilespmem:s8+$0x200] =	vst v25  }
0x12e: {  	v28 =	vor.u32 $0x6, v6;
	v16 =	vld.idx.msk [tilespmem:v27+s3+$0x0], $0xffff  }
0x12f: {  	v29 =	vor.u32 $0x6, v7;
	_ =	sdelay $0x2  }
0x130: {  	s1 =	sadd.s32 $0x1, s23;
	[tilespmem:s9+$0x280] =	vst v12  }
0x131: {  	s1 =	sand.u32 $0x3, s1;
	v12 =	vld.idx.msk [tilespmem:v28+s3+$0x0], $0xffff;
	[tilespmem:s8+$0x280] =	vst v16  }
0x132: {  	v30 =	vor.u32 $0x7, v6;
	s1 =	sshll.u32 s1, $0x5;
	v16 =	vld.idx.msk [tilespmem:v29+s3+$0x0], $0xffff  }
0x133: {  	v31 =	vor.u32 $0x7, v7;
	s1 =	sadd.s32 s1, s28  }
0x134: {  	s2 =	sadd.s32 $0x10, s1  }
0x135: {  	s5 =	sor.u32 $0x300, s2  }
0x136: {  	s1 =	sor.u32 $0x300, s1;
	[tilespmem:s5+$0x10400] =	vst v12  }
0x137: {  	v12 =	vld.idx.msk [tilespmem:v30+s3+$0x0], $0xffff;
	[tilespmem:s1+$0x10400] =	vst v16  }
0x138: {  	v32 =	vor.u32 $0x8, v6;
	v16 =	vld.idx.msk [tilespmem:v31+s3+$0x0], $0xffff  }
0x139: {  	v33 =	vor.u32 $0x8, v7;
	_ =	sdelay $0x1  }
0x13a: {  	s23 =	sor.u32 $0x380, s2  }
0x13b: {  	[tilespmem:s23+$0x10400] =	vst v12  }
0x13c: {  	v12 =	vld.idx.msk [tilespmem:v32+s3+$0x0], $0xffff;
	[tilespmem:s0+$0x10400] =	vst v16  }
0x13d: {  	v34 =	vor.u32 $0x9, v6;
	v16 =	vld.idx.msk [tilespmem:v33+s3+$0x0], $0xffff  }
0x13e: {  	v35 =	vor.u32 $0x9, v7  }
0x13f: {  	s25 =	sadd.s32 $0x12400, s20  }
0x140: {  	s28 =	sor.u32 s19, s25  }
0x141: {  	s0 =	sor.u32 s18, s25;
	[tilespmem:s28+$0x0] =	vst v12  }
0x142: {  	v12 =	vld.idx.msk [tilespmem:v34+s3+$0x0], $0xffff;
	[tilespmem:s0+$0x0] =	vst v16  }
0x143: {  	v36 =	vor.u32 $0xA, v6;
	v16 =	vld.idx.msk [tilespmem:v35+s3+$0x0], $0xffff  }
0x144: {  	v37 =	vor.u32 $0xA, v7  }
0x145: {  	s31 =	sadd.s32 $0x12480, s20  }
0x146: {  	s2 =	sor.u32 s19, s31  }
0x147: {  	s0 =	sor.u32 s18, s31;
	[tilespmem:s2+$0x0] =	vst v12  }
0x148: {  	v12 =	vld.idx.msk [tilespmem:v36+s3+$0x0], $0xffff;
	[tilespmem:s0+$0x0] =	vst v16  }
0x149: {  	v38 =	vor.u32 $0xB, v6;
	v16 =	vld.idx.msk [tilespmem:v37+s3+$0x0], $0xffff  }
0x14a: {  	v39 =	vor.u32 $0xB, v7  }
0x14b: {  	s5 =	sadd.s32 $0x12500, s20  }
0x14c: {  	s7 =	sor.u32 s19, s5  }
0x14d: {  	s0 =	sor.u32 s18, s5;
	[tilespmem:s7+$0x0] =	vst v12  }
0x14e: {  	v12 =	vld.idx.msk [tilespmem:v38+s3+$0x0], $0xffff;
	[tilespmem:s0+$0x0] =	vst v16  }
0x14f: {  	v40 =	vor.u32 $0xC, v6;
	v16 =	vld.idx.msk [tilespmem:v39+s3+$0x0], $0xffff  }
0x150: {  	v41 =	vor.u32 $0xC, v7  }
0x151: {  	s8 =	sadd.s32 $0x12580, s20  }
0x152: {  	s9 =	sor.u32 s19, s8  }
0x153: {  	s0 =	sor.u32 s18, s8;
	[tilespmem:s9+$0x0] =	vst v12  }
0x154: {  	v12 =	vld.idx.msk [tilespmem:v40+s3+$0x0], $0xffff;
	[tilespmem:s0+$0x0] =	vst v16  }
0x155: {  	v42 =	vor.u32 $0xD, v6;
	v16 =	vld.idx.msk [tilespmem:v41+s3+$0x0], $0xffff  }
0x156: {  	v43 =	vor.u32 $0xD, v7  }
0x157: {  	s22 =	sadd.s32 $0x12600, s20;
	[tilespmem:s6+$0x0] =	vst v13  }
0x158: {  	v13 =	vld.idx.msk [tilespmem:v15+s3+$0x0], $0xffff;
	s23 =	sor.u32 s19, s22  }
0x159: {  	v45 =	vor.u32 $0xE, v5;
	s0 =	sor.u32 s18, s22;
	[tilespmem:s23+$0x0] =	vst v12  }
0x15a: {  	v44 =	vor.u32 $0xE, v4;
	v17 =	vld.idx.msk [tilespmem:v42+s3+$0x0], $0xffff;
	[tilespmem:s0+$0x0] =	vst v16  }
0x15b: {  	v46 =	vor.u32 $0xE, v6;
	s25 =	sadd.s32 $0x12680, s17;
	v16 =	vld.idx.msk [tilespmem:v43+s3+$0x0], $0xffff  }
0x15c: {  	v47 =	vor.u32 $0xE, v7;
	s0 =	sor.u32 s15, s25  }
0x15d: {  	s28 =	sor.u32 s16, s25;
	s31 =	sadd.s32 $0x12680, s20;
	[tilespmem:s0+$0x0] =	vst v13  }
0x15e: {  	[tilespmem:s28+$0x0] =	vst v14;
	s2 =	sor.u32 s19, s31;
	v12 =	vld.idx.msk [tilespmem:v45+s3+$0x0], $0xffff  }
0x15f: {  	v49 =	vor.u32 $0xF, v5;
	v14 =	vld.idx.msk [tilespmem:v44+s3+$0x0], $0xffff;
	s1 =	sor.u32 s18, s31;
	[tilespmem:s2+$0x0] =	vst v17  }
0x160: {  	v48 =	vor.u32 $0xF, v4;
	v17 =	vld.idx.msk [tilespmem:v46+s3+$0x0], $0xffff;
	[tilespmem:s1+$0x0] =	vst v16  }
0x161: {  	v50 =	vor.u32 $0xF, v6;
	s5 =	sadd.s32 $0x12700, s17;
	v16 =	vld.idx.msk [tilespmem:v47+s3+$0x0], $0xffff  }
0x162: {  	v51 =	vor.u32 $0xF, v7;
	s0 =	sor.u32 s15, s5  }
0x163: {  	s6 =	sor.u32 s16, s5;
	s7 =	sadd.s32 $0x12700, s20;
	[tilespmem:s0+$0x0] =	vst v12  }
0x164: {  	[tilespmem:s6+$0x0] =	vst v14;
	s8 =	sor.u32 s19, s7;
	v12 =	vld.idx.msk [tilespmem:v49+s3+$0x0], $0xffff  }
0x165: {  	v53 =	vor.u32 $0x10, v5;
	v13 =	vld.idx.msk [tilespmem:v48+s3+$0x0], $0xffff;
	s1 =	sor.u32 s18, s7;
	[tilespmem:s8+$0x0] =	vst v17  }
0x166: {  	v52 =	vor.u32 $0x10, v4;
	v17 =	vld.idx.msk [tilespmem:v50+s3+$0x0], $0xffff;
	[tilespmem:s1+$0x0] =	vst v16  }
0x167: {  	v54 =	vor.u32 $0x10, v6;
	s9 =	sadd.s32 $0x12780, s17;
	v16 =	vld.idx.msk [tilespmem:v51+s3+$0x0], $0xffff  }
0x168: {  	v55 =	vor.u32 $0x10, v7;
	s0 =	sor.u32 s15, s9  }
0x169: {  	s22 =	sor.u32 s16, s9;
	s23 =	sadd.s32 $0x12780, s20;
	[tilespmem:s0+$0x0] =	vst v12  }
0x16a: {  	s25 =	sor.u32 s19, s23;
	[tilespmem:s22+$0x0] =	vst v13;
	v12 =	vld.idx.msk [tilespmem:v53+s3+$0x0], $0xffff  }
0x16b: {  	v57 =	vor.u32 $0x11, v5;
	v13 =	vld.idx.msk [tilespmem:v52+s3+$0x0], $0xffff;
	s1 =	sor.u32 s18, s23;
	[tilespmem:s25+$0x0] =	vst v17  }
0x16c: {  	v56 =	vor.u32 $0x11, v4;
	v17 =	vld.idx.msk [tilespmem:v54+s3+$0x0], $0xffff;
	[tilespmem:s1+$0x0] =	vst v16  }
0x16d: {  	v58 =	vor.u32 $0x11, v6;
	s28 =	sadd.s32 $0x14400, s17;
	v16 =	vld.idx.msk [tilespmem:v55+s3+$0x0], $0xffff  }
0x16e: {  	v59 =	vor.u32 $0x11, v7;
	s0 =	sor.u32 s15, s28  }
0x16f: {  	s31 =	sor.u32 s16, s28;
	s2 =	sadd.s32 $0x14400, s20;
	[tilespmem:s0+$0x0] =	vst v12  }
0x170: {  	s5 =	sor.u32 s19, s2;
	[tilespmem:s31+$0x0] =	vst v13;
	v61 =	vld.idx.msk [tilespmem:v57+s3+$0x0], $0xffff  }
0x171: {  	v62 =	vor.u32 $0x12, v5;
	v13 =	vld.idx.msk [tilespmem:v56+s3+$0x0], $0xffff;
	s1 =	sor.u32 s18, s2;
	[tilespmem:s5+$0x0] =	vst v17  }
0x172: {  	v60 =	vor.u32 $0x12, v4;
	v17 =	vld.idx.msk [tilespmem:v58+s3+$0x0], $0xffff;
	[tilespmem:s1+$0x0] =	vst v16  }
0x173: {  	v63 =	vor.u32 $0x12, v6;
	s6 =	sadd.s32 $0x14480, s17;
	v21 =	vld.idx.msk [tilespmem:v59+s3+$0x0], $0xffff  }
0x174: {  	v22 =	vor.u32 $0x12, v7;
	s0 =	sor.u32 s15, s6  }
0x175: {  	s7 =	sor.u32 s16, s6;
	s8 =	sadd.s32 $0x14480, s20;
	[tilespmem:s0+$0x0] =	vst v61  }
0x176: {  	s9 =	sor.u32 s19, s8;
	[tilespmem:s7+$0x0] =	vst v13;
	v14 =	vld.idx.msk [tilespmem:v62+s3+$0x0], $0xffff  }
0x177: {  	v24 =	vor.u32 $0x13, v5;
	v12 =	vld.idx.msk [tilespmem:v60+s3+$0x0], $0xffff;
	s1 =	sor.u32 s18, s8;
	[tilespmem:s9+$0x0] =	vst v17  }
0x178: {  	v23 =	vor.u32 $0x13, v4;
	v16 =	vld.idx.msk [tilespmem:v63+s3+$0x0], $0xffff;
	[tilespmem:s1+$0x0] =	vst v21  }
0x179: {  	v25 =	vor.u32 $0x13, v6;
	s22 =	sadd.s32 $0x14500, s17;
	v18 =	vld.idx.msk [tilespmem:v22+s3+$0x0], $0xffff  }
0x17a: {  	v26 =	vor.u32 $0x13, v7;
	s0 =	sor.u32 s15, s22  }
0x17b: {  	s23 =	sor.u32 s16, s22;
	s25 =	sadd.s32 $0x14500, s20;
	[tilespmem:s0+$0x0] =	vst v14  }
0x17c: {  	s28 =	sor.u32 s19, s25;
	[tilespmem:s23+$0x0] =	vst v12;
	v14 =	vld.idx.msk [tilespmem:v24+s3+$0x0], $0xffff  }
0x17d: {  	v28 =	vor.u32 $0x14, v5;
	v12 =	vld.idx.msk [tilespmem:v23+s3+$0x0], $0xffff;
	s1 =	sor.u32 s18, s25;
	[tilespmem:s28+$0x0] =	vst v16  }
0x17e: {  	v27 =	vor.u32 $0x14, v4;
	s31 =	sadd.s32 $0x14700, s14;
	v16 =	vld.idx.msk [tilespmem:v25+s3+$0x0], $0xffff;
	[tilespmem:s1+$0x0] =	vst v18  }
0x17f: {  	[tilespmem:s29+$0x0] =	vst v9;
	v29 =	vor.u32 $0x14, v6;
	s2 =	sor.u32 s13, s31;
	s5 =	sadd.s32 $0x14580, s17;
	v30 =	vld.idx.msk [tilespmem:v26+s3+$0x0], $0xffff  }
0x180: {  	v31 =	vor.u32 $0x14, v7;
	[tilespmem:s2+$0x0] =	vst v8;
	s1 =	sor.u32 s15, s5  }
0x181: {  	v32 =	vor.u32 $0x16, v1;
	s7 =	sadd.s32 $0x14580, s20;
	v11 =	vld.idx.msk [tilespmem:v11+s3+$0x0], $0xffff;
	s6 =	sor.u32 s16, s5;
	[tilespmem:s1+$0x0] =	vst v14  }
0x182: {  	v33 =	vor.u32 $0x1C, v3;
	s8 =	sor.u32 s19, s7;
	[tilespmem:s6+$0x0] =	vst v12;
	v15 =	vld.idx.msk [tilespmem:v28+s3+$0x0], $0xffff  }
0x183: {  	v35 =	vor.u32 $0x15, v5;
	s2 =	sor.u32 s18, s7;
	v13 =	vld.idx.msk [tilespmem:v27+s3+$0x0], $0xffff;
	[tilespmem:s8+$0x0] =	vst v16  }
0x184: {  	v34 =	vor.u32 $0x15, v4;
	s9 =	sadd.s32 $0x14780, s14;
	v8 =	vld.idx.msk [tilespmem:v29+s3+$0x0], $0xffff;
	[tilespmem:s2+$0x0] =	vst v30  }
0x185: {  	[tilespmem:s10+$0x0] =	vst v10;
	v36 =	vor.u32 $0x15, v6;
	s22 =	sadd.s32 $0x14600, s17;
	s10 =	sor.u32 s13, s9;
	v10 =	vld.idx.msk [tilespmem:v31+s3+$0x0], $0xffff  }
0x186: {  	v37 =	vld.idx.msk [tilespmem:v32+s3+$0x0], $0xffff;
	v38 =	vor.u32 $0x15, v7;
	[tilespmem:s10+$0x0] =	vst v11;
	s5 =	sor.u32 s15, s22  }
0x187: {  	v39 =	vor.u32 $0x18, v2;
	s23 =	sor.u32 s16, s22;
	v12 =	vld.idx.msk [tilespmem:v33+s3+$0x0], $0xffff;
	s25 =	sadd.s32 $0x14600, s20;
	[tilespmem:s5+$0x0] =	vst v15  }
0x188: {  	v40 =	vor.u32 $0x17, v1;
	s28 =	sor.u32 s19, s25;
	[tilespmem:s23+$0x0] =	vst v13;
	v15 =	vld.idx.msk [tilespmem:v35+s3+$0x0], $0xffff  }
0x189: {  	v42 =	vor.u32 $0x16, v5;
	v14 =	vld.idx.msk [tilespmem:v34+s3+$0x0], $0xffff;
	s2 =	sor.u32 s18, s25;
	[tilespmem:s28+$0x0] =	vst v8  }
0x18a: {  	v41 =	vor.u32 $0x16, v4;
	s0 =	sor.u32 s12, s31;
	v9 =	vld.idx.msk [tilespmem:v36+s3+$0x0], $0xffff;
	[tilespmem:s2+$0x0] =	vst v10  }
0x18b: {  	s29 =	sadd.s32 $0x14680, s17;
	v43 =	vor.u32 $0x16, v6;
	[tilespmem:s0+$0x0] =	vst v37;
	v11 =	vld.idx.msk [tilespmem:v38+s3+$0x0], $0xffff  }
0x18c: {  	v45 =	vor.u32 $0x16, v7;
	v44 =	vld.idx.msk [tilespmem:v39+s3+$0x0], $0xffff;
	s0 =	sor.u32 s15, s29;
	[tilespmem:s30+$0x0] =	vst v12  }
0x18d: {  	v46 =	vor.u32 $0x1D, v3;
	s31 =	sor.u32 s16, s29;
	v13 =	vld.idx.msk [tilespmem:v40+s3+$0x0], $0xffff;
	s5 =	sadd.s32 $0x14680, s20;
	[tilespmem:s0+$0x0] =	vst v15  }
0x18e: {  	v47 =	vor.u32 $0x19, v2;
	[tilespmem:s31+$0x0] =	vst v14;
	s6 =	sor.u32 s19, s5;
	v10 =	vld.idx.msk [tilespmem:v42+s3+$0x0], $0xffff  }
0x18f: {  	v49 =	vor.u32 $0x17, v5;
	s7 =	sadd.s32 $0x16400, s14;
	v8 =	vld.idx.msk [tilespmem:v41+s3+$0x0], $0xffff;
	s2 =	sor.u32 s18, s5;
	[tilespmem:s6+$0x0] =	vst v9  }
0x190: {  	v48 =	vor.u32 $0x17, v4;
	s8 =	sor.u32 s13, s7;
	v50 =	vld.idx.msk [tilespmem:v43+s3+$0x0], $0xffff;
	[tilespmem:s2+$0x0] =	vst v11  }
0x191: {  	v51 =	vor.u32 $0x17, v6;
	s1 =	sor.u32 s12, s9;
	s9 =	sadd.s32 $0x14700, s17;
	[tilespmem:s8+$0x0] =	vst v44;
	v12 =	vld.idx.msk [tilespmem:v45+s3+$0x0], $0xffff  }
0x192: {  	v53 =	vor.u32 $0x17, v7;
	v52 =	vld.idx.msk [tilespmem:v46+s3+$0x0], $0xffff;
	[tilespmem:s1+$0x0] =	vst v13;
	s2 =	sor.u32 s15, s9  }
0x193: {  	v54 =	vor.u32 $0x18, v1;
	s22 =	sadd.s32 $0x14700, s20;
	s10 =	sor.u32 s16, s9;
	v14 =	vld.idx.msk [tilespmem:v47+s3+$0x0], $0xffff;
	[tilespmem:s2+$0x0] =	vst v10  }
0x194: {  	v61 =	vor.u32 $0x1A, v2;
	s23 =	sor.u32 s19, s22;
	[tilespmem:s10+$0x0] =	vst v8;
	v11 =	vld.idx.msk [tilespmem:v49+s3+$0x0], $0xffff  }
0x195: {  	v57 =	vor.u32 $0x18, v5;
	s1 =	sor.u32 s18, s22;
	v9 =	vld.idx.msk [tilespmem:v48+s3+$0x0], $0xffff;
	[tilespmem:s23+$0x0] =	vst v50  }
0x196: {  	v56 =	vor.u32 $0x18, v4;
	s25 =	sadd.s32 $0x16480, s14;
	v16 =	vld.idx.msk [tilespmem:v51+s3+$0x0], $0xffff;
	[tilespmem:s1+$0x0] =	vst v12  }
0x197: {  	v58 =	vor.u32 $0x18, v6;
	[tilespmem:s26+$0x0] =	vst v52;
	s26 =	sor.u32 s13, s25;
	s28 =	sadd.s32 $0x14780, s17;
	v13 =	vld.idx.msk [tilespmem:v53+s3+$0x0], $0xffff  }
0x198: {  	v60 =	vor.u32 $0x18, v7;
	v59 =	vld.idx.msk [tilespmem:v54+s3+$0x0], $0xffff;
	[tilespmem:s26+$0x0] =	vst v14;
	s5 =	sor.u32 s15, s28  }
0x199: {  	v55 =	vor.u32 $0x1E, v3;
	s30 =	sadd.s32 $0x14780, s20;
	s29 =	sor.u32 s16, s28;
	v22 =	vld.idx.msk [tilespmem:v61+s3+$0x0], $0xffff;
	[tilespmem:s5+$0x0] =	vst v11  }
0x19a: {  	v62 =	vor.u32 $0x19, v1;
	s31 =	sor.u32 s19, s30;
	[tilespmem:s29+$0x0] =	vst v9;
	v15 =	vld.idx.msk [tilespmem:v57+s3+$0x0], $0xffff  }
0x19b: {  	v20 =	vor.u32 $0x19, v5;
	v10 =	vld.idx.msk [tilespmem:v56+s3+$0x0], $0xffff;
	s1 =	sor.u32 s18, s30;
	[tilespmem:s31+$0x0] =	vst v16  }
0x19c: {  	v63 =	vor.u32 $0x19, v4;
	s0 =	sor.u32 s12, s7;
	s10 =	sadd.s32 $0x16500, s14;
	v12 =	vld.idx.msk [tilespmem:v58+s3+$0x0], $0xffff;
	[tilespmem:s1+$0x0] =	vst v13  }
0x19d: {  	v21 =	vor.u32 $0x19, v6;
	[tilespmem:s0+$0x0] =	vst v59;
	s6 =	sadd.s32 $0x16400, s17;
	s22 =	sor.u32 s13, s10;
	v14 =	vld.idx.msk [tilespmem:v60+s3+$0x0], $0xffff  }
0x19e: {  	v23 =	vor.u32 $0x19, v7;
	v8 =	vld.idx.msk [tilespmem:v55+s3+$0x0], $0xffff;
	s0 =	sor.u32 s15, s6;
	[tilespmem:s22+$0x0] =	vst v22  }
0x19f: {  	v3 =	vor.u32 $0x1F, v3;
	s8 =	sadd.s32 $0x16400, s20;
	s7 =	sor.u32 s16, s6;
	v9 =	vld.idx.msk [tilespmem:v62+s3+$0x0], $0xffff;
	[tilespmem:s0+$0x0] =	vst v15  }
0x1a0: {  	v24 =	vor.u32 $0x1A, v1;
	s9 =	sor.u32 s19, s8;
	[tilespmem:s7+$0x0] =	vst v10;
	v13 =	vld.idx.msk [tilespmem:v20+s3+$0x0], $0xffff  }
0x1a1: {  	v26 =	vor.u32 $0x1A, v5;
	v11 =	vld.idx.msk [tilespmem:v63+s3+$0x0], $0xffff;
	s1 =	sor.u32 s18, s8;
	[tilespmem:s9+$0x0] =	vst v12  }
0x1a2: {  	v25 =	vor.u32 $0x1A, v4;
	v27 =	vld.idx.msk [tilespmem:v21+s3+$0x0], $0xffff;
	[tilespmem:s1+$0x0] =	vst v14  }
0x1a3: {  	v28 =	vor.u32 $0x1A, v6;
	s2 =	sor.u32 s12, s25;
	[tilespmem:s24+$0x0] =	vst v8;
	s23 =	sadd.s32 $0x16480, s17;
	v8 =	vld.idx.msk [tilespmem:v23+s3+$0x0], $0xffff  }
0x1a4: {  	v29 =	vor.u32 $0x1A, v7;
	v3 =	vld.idx.msk [tilespmem:v3+s3+$0x0], $0xffff;
	[tilespmem:s2+$0x0] =	vst v9;
	s1 =	sor.u32 s15, s23  }
0x1a5: {  	v30 =	vor.u32 $0x1B, v2;
	s25 =	sadd.s32 $0x16480, s20;
	s24 =	sor.u32 s16, s23;
	v10 =	vld.idx.msk [tilespmem:v24+s3+$0x0], $0xffff;
	[tilespmem:s1+$0x0] =	vst v13  }
0x1a6: {  	v31 =	vor.u32 $0x1B, v1;
	s26 =	sor.u32 s19, s25;
	[tilespmem:s24+$0x0] =	vst v11;
	v14 =	vld.idx.msk [tilespmem:v26+s3+$0x0], $0xffff  }
0x1a7: {  	v33 =	vor.u32 $0x1B, v5;
	s28 =	sor.u32 s18, s25;
	v12 =	vld.idx.msk [tilespmem:v25+s3+$0x0], $0xffff;
	[tilespmem:s26+$0x0] =	vst v27  }
0x1a8: {  	v32 =	vor.u32 $0x1B, v4;
	v15 =	vld.idx.msk [tilespmem:v28+s3+$0x0], $0xffff;
	[tilespmem:s28+$0x0] =	vst v8  }
0x1a9: {  	s29 =	sadd.s32 $0x16500, s17;
	[tilespmem:s21+$0x0] =	vst v3;
	v3 =	vor.u32 $0x1B, v6;
	s0 =	sor.u32 s12, s10;
	v9 =	vld.idx.msk [tilespmem:v29+s3+$0x0], $0xffff  }
0x1aa: {  	v35 =	vor.u32 $0x1B, v7;
	v34 =	vld.idx.msk [tilespmem:v30+s3+$0x0], $0xffff;
	[tilespmem:s0+$0x0] =	vst v10;
	s1 =	sor.u32 s15, s29  }
0x1ab: {  	v36 =	vor.u32 $0x1C, v2;
	s30 =	sor.u32 s16, s29;
	s31 =	sadd.s32 $0x16500, s20;
	v11 =	vld.idx.msk [tilespmem:v31+s3+$0x0], $0xffff;
	[tilespmem:s1+$0x0] =	vst v14  }
0x1ac: {  	v37 =	vor.u32 $0x1C, v1;
	s2 =	sor.u32 s19, s31;
	[tilespmem:s30+$0x0] =	vst v12;
	v8 =	vld.idx.msk [tilespmem:v33+s3+$0x0], $0xffff  }
0x1ad: {  	v39 =	vor.u32 $0x1C, v5;
	s5 =	sadd.s32 $0x16580, s14;
	s0 =	sor.u32 s18, s31;
	v13 =	vld.idx.msk [tilespmem:v32+s3+$0x0], $0xffff;
	[tilespmem:s2+$0x0] =	vst v15  }
0x1ae: {  	v38 =	vor.u32 $0x1C, v4;
	s6 =	sor.u32 s13, s5;
	v3 =	vld.idx.msk [tilespmem:v3+s3+$0x0], $0xffff;
	[tilespmem:s0+$0x0] =	vst v9  }
0x1af: {  	v40 =	vor.u32 $0x1C, v6;
	[tilespmem:s6+$0x0] =	vst v34;
	s7 =	sadd.s32 $0x16580, s17;
	s1 =	sor.u32 s12, s5;
	v10 =	vld.idx.msk [tilespmem:v35+s3+$0x0], $0xffff  }
0x1b0: {  	v41 =	vor.u32 $0x1C, v7;
	v16 =	vld.idx.msk [tilespmem:v36+s3+$0x0], $0xffff;
	[tilespmem:s1+$0x0] =	vst v11;
	s0 =	sor.u32 s15, s7  }
0x1b1: {  	v42 =	vor.u32 $0x1D, v2;
	s8 =	sor.u32 s16, s7;
	s9 =	sadd.s32 $0x16580, s20;
	v12 =	vld.idx.msk [tilespmem:v37+s3+$0x0], $0xffff;
	[tilespmem:s0+$0x0] =	vst v8  }
0x1b2: {  	v43 =	vor.u32 $0x1D, v1;
	s10 =	sor.u32 s19, s9;
	[tilespmem:s8+$0x0] =	vst v13;
	v8 =	vld.idx.msk [tilespmem:v39+s3+$0x0], $0xffff  }
0x1b3: {  	v44 =	vor.u32 $0x1D, v5;
	s21 =	sadd.s32 $0x16600, s14;
	s1 =	sor.u32 s18, s9;
	v14 =	vld.idx.msk [tilespmem:v38+s3+$0x0], $0xffff;
	[tilespmem:s10+$0x0] =	vst v3  }
0x1b4: {  	s22 =	sor.u32 s13, s21;
	v3 =	vor.u32 $0x1D, v4;
	v45 =	vld.idx.msk [tilespmem:v40+s3+$0x0], $0xffff;
	[tilespmem:s1+$0x0] =	vst v10  }
0x1b5: {  	v46 =	vor.u32 $0x1D, v6;
	[tilespmem:s22+$0x0] =	vst v16;
	s23 =	sadd.s32 $0x16600, s17;
	s0 =	sor.u32 s12, s21;
	v11 =	vld.idx.msk [tilespmem:v41+s3+$0x0], $0xffff  }
0x1b6: {  	v47 =	vor.u32 $0x1D, v7;
	v16 =	vld.idx.msk [tilespmem:v42+s3+$0x0], $0xffff;
	s25 =	sor.u32 s15, s23;
	[tilespmem:s0+$0x0] =	vst v12  }
0x1b7: {  	v48 =	vor.u32 $0x1E, v2;
	s24 =	sor.u32 s16, s23;
	s26 =	sadd.s32 $0x16600, s20;
	v13 =	vld.idx.msk [tilespmem:v43+s3+$0x0], $0xffff;
	[tilespmem:s25+$0x0] =	vst v8  }
0x1b8: {  	v49 =	vor.u32 $0x1E, v1;
	s28 =	sor.u32 s19, s26;
	[tilespmem:s24+$0x0] =	vst v14;
	v9 =	vld.idx.msk [tilespmem:v44+s3+$0x0], $0xffff  }
0x1b9: {  	v51 =	vor.u32 $0x1E, v5;
	s29 =	sadd.s32 $0x16680, s14;
	s1 =	sor.u32 s18, s26;
	v3 =	vld.idx.msk [tilespmem:v3+s3+$0x0], $0xffff;
	[tilespmem:s28+$0x0] =	vst v45  }
0x1ba: {  	v50 =	vor.u32 $0x1E, v4;
	s30 =	sor.u32 s13, s29;
	v52 =	vld.idx.msk [tilespmem:v46+s3+$0x0], $0xffff;
	[tilespmem:s1+$0x0] =	vst v11  }
0x1bb: {  	v53 =	vor.u32 $0x1E, v6;
	s31 =	sadd.s32 $0x16680, s17;
	[tilespmem:s30+$0x0] =	vst v16;
	s0 =	sor.u32 s12, s29;
	v12 =	vld.idx.msk [tilespmem:v47+s3+$0x0], $0xffff  }
0x1bc: {  	v54 =	vor.u32 $0x1E, v7;
	v16 =	vld.idx.msk [tilespmem:v48+s3+$0x0], $0xffff;
	[tilespmem:s0+$0x0] =	vst v13;
	s1 =	sor.u32 s15, s31  }
0x1bd: {  	v2 =	vor.u32 $0x1F, v2;
	s5 =	sadd.s32 $0x16680, s20;
	s2 =	sor.u32 s16, s31;
	v14 =	vld.idx.msk [tilespmem:v49+s3+$0x0], $0xffff;
	[tilespmem:s1+$0x0] =	vst v9  }
0x1be: {  	v1 =	vor.u32 $0x1F, v1;
	s6 =	sor.u32 s19, s5;
	[tilespmem:s2+$0x0] =	vst v3;
	v56 =	vld.idx.msk [tilespmem:v51+s3+$0x0], $0xffff  }
0x1bf: {  	v57 =	vor.u32 $0x1F, v5;
	s7 =	sadd.s32 $0x16700, s14;
	s0 =	sor.u32 s18, s5;
	v3 =	vld.idx.msk [tilespmem:v50+s3+$0x0], $0xffff;
	[tilespmem:s6+$0x0] =	vst v52  }
0x1c0: {  	v55 =	vor.u32 $0x1F, v4;
	s8 =	sor.u32 s13, s7;
	v58 =	vld.idx.msk [tilespmem:v53+s3+$0x0], $0xffff;
	[tilespmem:s0+$0x0] =	vst v12  }
0x1c1: {  	v59 =	vor.u32 $0x1F, v6;
	s9 =	sadd.s32 $0x16700, s17;
	[tilespmem:s8+$0x0] =	vst v16;
	s1 =	sor.u32 s12, s7;
	v60 =	vld.idx.msk [tilespmem:v54+s3+$0x0], $0xffff  }
0x1c2: {  	v61 =	vor.u32 $0x1F, v7;
	v2 =	vld.idx.msk [tilespmem:v2+s3+$0x0], $0xffff;
	[tilespmem:s1+$0x0] =	vst v14;
	s0 =	sor.u32 s15, s9  }
0x1c3: {  	s21 =	sadd.s32 $0x16700, s20;
	s10 =	sor.u32 s16, s9;
	v1 =	vld.idx.msk [tilespmem:v1+s3+$0x0], $0xffff;
	[tilespmem:s0+$0x0] =	vst v56  }
0x1c4: {  	s22 =	sor.u32 s19, s21;
	[tilespmem:s10+$0x0] =	vst v3;
	v62 =	vld.idx.msk [tilespmem:v57+s3+$0x0], $0xffff  }
0x1c5: {  	s23 =	sadd.s32 $0x16780, s14;
	s1 =	sor.u32 s18, s21;
	v3 =	vld.idx.msk [tilespmem:v55+s3+$0x0], $0xffff;
	[tilespmem:s22+$0x0] =	vst v58  }
0x1c6: {  	s24 =	sor.u32 s13, s23;
	v63 =	vld.idx.msk [tilespmem:v59+s3+$0x0], $0xffff;
	[tilespmem:s1+$0x0] =	vst v60  }
0x1c7: {  	s25 =	sadd.s32 $0x16780, s17;
	[tilespmem:s24+$0x0] =	vst v2;
	s0 =	sor.u32 s12, s23;
	v2 =	vld.idx.msk [tilespmem:v61+s3+$0x0], $0xffff  }
0x1c8: {  	[tilespmem:s0+$0x0] =	vst v1;
	s1 =	sor.u32 s15, s25  }
0x1c9: {  	s26 =	sor.u32 s16, s25;
	s28 =	sadd.s32 $0x16780, s20;
	[tilespmem:s1+$0x0] =	vst v62  }
0x1ca: {  	s29 =	sor.u32 s19, s28;
	[tilespmem:s26+$0x0] =	vst v3  }
0x1cb: {  	s0 =	sor.u32 s18, s28;
	[tilespmem:s29+$0x0] =	vst v63  }
0x1cc: {  	[tilespmem:s0+$0x0] =	vst v2  }
0x1cd: {  	s30 =	simm.s32 $0x10400;
	s0 =	rddreg [dreg:$0x4]  }
0x1ce: {  	[hbm4b:s0+s3] =	stream.linear.scatter [tilespmem:s30], [sflag:$0x1], $0x8000, $0x38;
	[tilespmem:$0x18400] =	vst v63  }
0x1cf: {  	_ =	swait.ge [sflag:s4], $0x8000  }
0x1d0: {  	s11 =	sadd.s32 $0x1, s11;
	s31 =	rddreg [dreg:$0x5]  }
0x1d1: {  	p0 =	sne.s32 s11, s31  }
.Ltmp1:
0x1d2: {  	_ = 	snop;
	(pc) =	sbr.rel @p0 .LBB2_1-.Ltmp1, $3  }
0x1d3: {  	_ =	sdelay $0x1  }
0x1d4: {  	[sflag:s4] =	ssyncset.done $0x0  }
0x1d5: {  	[sflag:s4] =	ssyncadd.s32 $0xFFFF8000  }
0x1d6: {  	_ =	sfence.sel $0x180000  }
0x1d7: {  	[bflag:$0x0] =	sbarrier.arrive $0xFFFF  }
0x1d8: {  	_ =	strace $0x90000047  }
0x1d9: {  	s0 =	stileid.u32;
	[bflag:$0x2] =	sbarrier.arrive $0xFFFF  }
0x1da: {  	p0 =	sne.s32 s0, $0x0;
	s0 =	rddreg [dreg:$0x2]  }
0x1db: {  	s0 =	sadd.s32 @!p0 $0x100000, s0  }
0x1dc: {  	[sflag:s0] =	ssyncadd.tile.s32 @!p0 $0x1;
	_ =	shalt  }
.Lfunc_end2:
_tile_overlayer_lowered:
.L_overlay_start_2:
0x1dd: {  	(tag) =	ssettag $0x2  }
0x1de: {  	s0 =	rddreg [dreg:$0x0];
	s2 =	stileid.u32  }
0x1df: {  	s1 =	rddreg [dreg:$0x1];
	p0 =	sne.s32 s2, $0x0  }
0x1e0: {  	s3 =	rddreg [dreg:$0x2];
	[bflag:$0x3] =	sbarrier.arrive $0xFFFF;
	s2 =	simm.s32 @!p0 $0x1C01  }
0x1e1: {  	[timem:s3], [sflag:s2] =	dma.local @!p0 [hbm:s0], s1  }
0x1e2: {  	s0 =	simm.s32 @!p0 $0x1  }
0x1e3: {  	_ =	swait.ge @!p0 [sflag:s0], s1  }
0x1e4: {  	s1 =	ssub.s32 @!p0 $0x0, s1;
	[sflag:s0] =	ssyncset.done @!p0 $0x0  }
0x1e5: {  	[sflag:s0] =	ssyncadd.s32 @!p0 s1  }
0x1e6: {  	[bflag:$0x3] =	sbarrier.arrive $0xFFFF  }
0x1e7: {  	_ =	shalt  }

</sc_bundles>
